<compile_context>
chip_gen: v7x
topology: tpu7x:2x2x1
jax: 0.10.2.dev20260603
libtpu: 0.0.44.dev20260713+nightly
codegen_flags: <defaults>
</compile_context>

<pallas_src>
import jax
import jax.numpy as jnp
from jax import lax
from jax.experimental import pallas as pl
from jax.experimental.pallas import tpu as pltpu
from jax.experimental.pallas import tpu_sc as plsc

N_ATOMS = 100000
N_SEG = 4096
N_TAB = 119

NUM_TILES = 16
CHUNKS = 49
PER_TILE = CHUNKS * 128
LAST = NUM_TILES - 1
LAST_BASE = LAST * PER_TILE
LAST_N = N_ATOMS - LAST_BASE
LAST_FULL = LAST_N // 128
LAST_REM = LAST_N - LAST_FULL * 128
LAST_CHUNKS = LAST_FULL + 1
ACC = 4352
ACC_PER_TILE = ACC // NUM_TILES
OUT_PER_TILE = N_SEG // NUM_TILES
WINDOW = 16


def _body(energy_hbm, natoms_hbm, z_hbm, seg_hbm, sc_hbm, sh_hbm, table_hbm,
          out_hbm,
          table_v, z_v, seg_v, vals_v, zero_v, acc_sh,
          e_v, na_v, acc_v, res_v, s_v, sh_v, sem, sem2, sem3):
    t = lax.axis_index("s")
    base = t * PER_TILE

    @pl.when(t < LAST)
    def _():
        pltpu.async_copy(z_hbm.at[pl.ds(base, PER_TILE)], z_v, sem2)

        def stage(j, c):
            pltpu.async_copy(seg_hbm.at[pl.ds(base + j * 128, 128)],
                             seg_v.at[j], sem2)
            return c

        lax.fori_loop(0, CHUNKS, stage, 0)

    @pl.when(t == LAST)
    def _():
        pltpu.async_copy(z_hbm.at[pl.ds(LAST_BASE, LAST_N)],
                         z_v.at[pl.ds(0, LAST_N)], sem2)

        def stage(j, c):
            pltpu.async_copy(seg_hbm.at[pl.ds(LAST_BASE + j * 128, 128)],
                             seg_v.at[j], sem2)
            return c

        lax.fori_loop(0, LAST_FULL, stage, 0)
        pltpu.async_copy(seg_hbm.at[pl.ds(LAST_BASE + LAST_FULL * 128,
                                          LAST_REM)],
                         seg_v.at[LAST_FULL, pl.ds(0, LAST_REM)], sem2)

    pltpu.async_copy(table_hbm, table_v, sem2)
    obase = t * OUT_PER_TILE
    pltpu.async_copy(energy_hbm.at[pl.ds(obase, OUT_PER_TILE)], e_v, sem3)
    pltpu.async_copy(natoms_hbm.at[pl.ds(obase, OUT_PER_TILE)], na_v, sem3)

    for i in range(ACC_PER_TILE // 16):
        zero_v[pl.ds(i * 16, 16)] = jnp.zeros((16,), jnp.float32)
    pltpu.sync_copy(zero_v, acc_sh.at[pl.ds(t * ACC_PER_TILE, ACC_PER_TILE)])

    @pl.when(t < LAST)
    def _():
        pltpu.make_async_copy(z_hbm.at[pl.ds(0, PER_TILE)], z_v, sem2).wait()
        pltpu.make_async_copy(z_hbm.at[pl.ds(0, PER_TILE)], z_v, sem2).wait()

    @pl.when(t == LAST)
    def _():
        pltpu.make_async_copy(z_hbm.at[pl.ds(0, LAST_N)],
                              z_v.at[pl.ds(0, LAST_N)], sem2).wait()
        pltpu.make_async_copy(z_hbm.at[pl.ds(0, LAST_N)],
                              z_v.at[pl.ds(0, LAST_N)], sem2).wait()
        sink16 = jnp.full((16,), N_SEG, jnp.int32)
        zi16 = jnp.zeros((16,), jnp.int32)
        for k in range(LAST_REM // 16, 8):
            z_v[pl.ds(LAST_FULL * 128 + k * 16, 16)] = zi16
            seg_v[LAST_FULL, pl.ds(k * 16, 16)] = sink16

    pltpu.make_async_copy(table_hbm, table_v, sem2).wait()

    plsc.subcore_barrier()

    trip = jnp.where(t == LAST, LAST_CHUNKS, CHUNKS)

    def chunk(j, c):
        for k in range(8):
            o = j * 128 + k * 16
            idx = z_v[pl.ds(o, 16)]
            vals_v[pl.ds(o, 16)] = plsc.load_gather(table_v, [idx])
        pltpu.async_copy(vals_v.at[pl.ds(j * 128, 128)],
                         acc_sh.at[seg_v.at[j]], sem, add=True)

        @pl.when(j >= WINDOW)
        def _():
            pltpu.make_async_copy(energy_hbm.at[pl.ds(0, 128)],
                                  vals_v.at[pl.ds(0, 128)], sem).wait()

        return c

    lax.fori_loop(0, trip, chunk, 0)
    pltpu.sync_copy(sc_hbm, s_v)
    pltpu.sync_copy(sh_hbm, sh_v)
    pltpu.make_async_copy(energy_hbm.at[pl.ds(0, OUT_PER_TILE)], e_v,
                          sem3).wait()
    pltpu.make_async_copy(natoms_hbm.at[pl.ds(0, OUT_PER_TILE)], na_v,
                          sem3).wait()
    zero_i16 = jnp.zeros((16,), jnp.int32)
    s = plsc.load_gather(s_v, [zero_i16])
    sh = plsc.load_gather(sh_v, [zero_i16])
    for i in range(OUT_PER_TILE // 16):
        d = pl.ds(i * 16, 16)
        res_v[d] = e_v[d] * s + na_v[d].astype(jnp.float32) * sh
    for _ in range(WINDOW):
        pltpu.make_async_copy(energy_hbm.at[pl.ds(0, 128)],
                              vals_v.at[pl.ds(0, 128)], sem).wait()

    plsc.subcore_barrier()

    pltpu.sync_copy(acc_sh.at[pl.ds(obase, OUT_PER_TILE)], acc_v)
    for i in range(OUT_PER_TILE // 16):
        d = pl.ds(i * 16, 16)
        res_v[d] = res_v[d] + acc_v[d]
    pltpu.sync_copy(res_v, out_hbm.at[pl.ds(obase, OUT_PER_TILE)])


@jax.jit
def _run(energy, n_atoms, z, seg, scale_by, shift_by, table):
    mesh = plsc.VectorSubcoreMesh(core_axis_name="c", subcore_axis_name="s",
                                  num_cores=1)
    return pl.kernel(
        _body,
        out_type=jax.ShapeDtypeStruct((N_SEG,), jnp.float32),
        mesh=mesh,
        compiler_params=pltpu.CompilerParams(needs_layout_passes=False),
        scratch_types=[
            pltpu.VMEM((N_TAB,), jnp.float32),
            pltpu.VMEM((PER_TILE,), jnp.int32),
            pltpu.VMEM((CHUNKS, 128), jnp.int32),
            pltpu.VMEM((PER_TILE,), jnp.float32),
            pltpu.VMEM((ACC_PER_TILE,), jnp.float32),
            pltpu.VMEM_SHARED((ACC,), jnp.float32),
            pltpu.VMEM((OUT_PER_TILE,), jnp.float32),
            pltpu.VMEM((OUT_PER_TILE,), jnp.int32),
            pltpu.VMEM((OUT_PER_TILE,), jnp.float32),
            pltpu.VMEM((OUT_PER_TILE,), jnp.float32),
            pltpu.VMEM((1,), jnp.float32),
            pltpu.VMEM((1,), jnp.float32),
            pltpu.SemaphoreType.DMA,
            pltpu.SemaphoreType.DMA,
            pltpu.SemaphoreType.DMA,
        ],
    )(energy, n_atoms, z, seg, scale_by, shift_by, table)


def kernel(energy, n_atoms, Z, image_idx, scale_by, shift_by, atomic_energies):
    return _run(energy, n_atoms, Z.astype(jnp.int32),
                image_idx.astype(jnp.int32), scale_by, shift_by,
                atomic_energies)

# --- scband reference (transcript-rebuilt; emitter-appended) ---
"""Pipeline reference for scband-global-rescale-shift-17308718203329 (READ-ONLY COPY).

The authoritative reference and input builder live on the scoring server;
editing this copy changes nothing except your own understanding.
"""

import jax, jax.numpy as jnp
import numpy as np

N_ATOMS_TOTAL = 100000
N_GRAPHS = 4096
N_ELEMENTS = 119


def setup_inputs(seed: int = 0) -> dict:
    key = jax.random.key(seed)
    k1, k2, k3, k4, k5 = jax.random.split(key, 5)
    energy = jax.random.normal(k1, (N_GRAPHS,), dtype=jnp.float32)
    n_atoms = jax.random.randint(k2, (N_GRAPHS,), 0, 50, dtype=jnp.int32)
    Z = jax.random.randint(k3, (N_ATOMS_TOTAL,), 0, N_ELEMENTS, dtype=jnp.int64)
    image_idx = jnp.sort(jax.random.randint(k4, (N_ATOMS_TOTAL,), 0, N_GRAPHS, dtype=jnp.int64))
    # buffers / (potentially trainable) scalars per __init__
    scale_by = jnp.array([2.0], dtype=jnp.float32)
    shift_by = jnp.array([0.5], dtype=jnp.float32)
    # atomic_energies buffer: 119-long table, sparse nonzero entries per init dict
    ae = np.zeros((N_ELEMENTS,), dtype=np.float32)
    ae[1] = -13.6
    ae[6] = -1029.8
    ae[7] = -1485.3
    ae[8] = -2041.3
    atomic_energies = jnp.asarray(ae)
    return {
        "energy": energy,
        "n_atoms": n_atoms,
        "Z": Z,
        "image_idx": image_idx,
        "scale_by": scale_by,
        "shift_by": shift_by,
        "atomic_energies": atomic_energies,
    }


def reference(energy, n_atoms, Z, image_idx, scale_by, shift_by, atomic_energies):
    # eval-mode scale() path: has_scale=True, has_shift=True,
    # atomwise_normalization=True, shift_by_E0=True
    e = energy * scale_by  # scale energy
    shift = n_atoms.astype(jnp.float32) * shift_by  # atomwise normalization
    node_e0 = jnp.take(atomic_energies, Z, axis=0)  # gather per-atom E0
    e0 = jax.ops.segment_sum(node_e0, image_idx, num_segments=N_GRAPHS)  # scatter_add per graph
    shift = shift + e0
    e = e + shift
    return e

if __name__ == "__main__":
    import jax
    _d = setup_inputs()
    print(jax.jit(kernel)(*tuple(_d.values())))

</pallas_src>

<mosaic_0001>
#map = affine_map<(d0, d1) -> (0)>
module attributes {stable_mosaic.version = 14 : i64} {
  func.func @_body(%arg0: i32, %arg1: i32, %arg2: memref<4096xf32, #tpu.memory_space<hbm>>, %arg3: memref<4096xi32, #tpu.memory_space<hbm>>, %arg4: memref<100000xi32, #tpu.memory_space<hbm>>, %arg5: memref<100000xi32, #tpu.memory_space<hbm>>, %arg6: memref<1xf32, #tpu.memory_space<hbm>>, %arg7: memref<1xf32, #tpu.memory_space<hbm>>, %arg8: memref<119xf32, #tpu.memory_space<hbm>>, %arg9: memref<4096xf32, #tpu.memory_space<hbm>>, %arg10: memref<119xf32, #tpu.memory_space<vmem>>, %arg11: memref<6272xi32, #tpu.memory_space<vmem>>, %arg12: memref<49x128xi32, #tpu.memory_space<vmem>>, %arg13: memref<6272xf32, #tpu.memory_space<vmem>>, %arg14: memref<272xf32, #tpu.memory_space<vmem>>, %arg15: memref<4352xf32, #tpu.memory_space<vmem_shared>>, %arg16: memref<256xf32, #tpu.memory_space<vmem>>, %arg17: memref<256xi32, #tpu.memory_space<vmem>>, %arg18: memref<256xf32, #tpu.memory_space<vmem>>, %arg19: memref<256xf32, #tpu.memory_space<vmem>>, %arg20: memref<1xf32, #tpu.memory_space<vmem>>, %arg21: memref<1xf32, #tpu.memory_space<vmem>>, %arg22: memref<!tpu.dma_semaphore, #tpu.memory_space<semaphore_mem>>, %arg23: memref<!tpu.dma_semaphore, #tpu.memory_space<semaphore_mem>>, %arg24: memref<!tpu.dma_semaphore, #tpu.memory_space<semaphore_mem>>) attributes {dimension_semantics = [#tpu.dimension_semantics<core_parallel>, #tpu.dimension_semantics<subcore_parallel>], iteration_bounds = array<i64: 1, 16>, scalar_prefetch = 0 : i64, scratch_operands = 15 : i64, tpu.core_type = #tpu.core_type<sc_vector_subcore>, window_params = [{transform_indices = #map}, {transform_indices = #map}, {transform_indices = #map}, {transform_indices = #map}, {transform_indices = #map}, {transform_indices = #map}, {transform_indices = #map}, {transform_indices = #map}]} {
    %mul3A = arith.constant 6272 : i32
    %mul3A_0 = arith.muli %arg1, %mul3A : i32
    %lt3A = arith.constant 15 : i32
    %lt3A_1 = arith.cmpi slt, %arg1, %lt3A : i32
    %convert_element_type3A = arith.extui %lt3A_1 : i1 to i32
    %cond3A = arith.constant 0 : i32
    %cond3A_2 = arith.cmpi ne, %convert_element_type3A, %cond3A : i32
    scf.if %cond3A_2 {
      %dma_start3A_511 = tpu.memref_slice %arg4[%mul3A_0] : memref<100000xi32, #tpu.memory_space<hbm>> -> memref<6272xi32, #tpu.memory_space<hbm>>
      %dma_start3A_512 = tpu.memref_slice %arg4[%mul3A_0] : memref<100000xi32, #tpu.memory_space<hbm>> -> memref<6272xi32, #tpu.memory_space<hbm>>
      tpu.enqueue_dma source(%dma_start3A_512 : memref<6272xi32, #tpu.memory_space<hbm>>) target(%arg11 : memref<6272xi32, #tpu.memory_space<vmem>>) target_semaphore(%arg23 : memref<!tpu.dma_semaphore, #tpu.memory_space<semaphore_mem>>)
      %scan3A = arith.constant 0 : i32
      %scan3A_513 = arith.constant 0 : i32
      %scan3A_514 = arith.constant 49 : i32
      %scan3A_515 = arith.addi %scan3A_513, %scan3A_514 : i32
      %scan3A_516 = arith.constant 1 : i32
      scf.for %scan3A_518 = %scan3A_513 to %scan3A_515 step %scan3A_516  : i32 {
        %mul3A_519 = arith.constant 128 : i32
        %mul3A_520 = arith.muli %scan3A_518, %mul3A_519 : i32
        %add3A_521 = arith.addi %mul3A_0, %mul3A_520 : i32
        %dma_start3A_522 = arith.constant 0 : i32
        %dma_start3A_523 = tpu.memref_slice %arg12[%scan3A_518, %dma_start3A_522] : memref<49x128xi32, #tpu.memory_space<vmem>> -> memref<1x128xi32, #tpu.memory_space<vmem>>
        %dma_start3A_524 = tpu.memref_squeeze %dma_start3A_523 : memref<1x128xi32, #tpu.memory_space<vmem>> -> memref<128xi32, #tpu.memory_space<vmem>>
        %dma_start3A_525 = tpu.memref_slice %arg5[%add3A_521] : memref<100000xi32, #tpu.memory_space<hbm>> -> memref<128xi32, #tpu.memory_space<hbm>>
        %dma_start3A_526 = arith.constant 0 : i32
        %dma_start3A_527 = tpu.memref_slice %arg12[%scan3A_518, %dma_start3A_526] : memref<49x128xi32, #tpu.memory_space<vmem>> -> memref<1x128xi32, #tpu.memory_space<vmem>>
        %dma_start3A_528 = tpu.memref_squeeze %dma_start3A_527 : memref<1x128xi32, #tpu.memory_space<vmem>> -> memref<128xi32, #tpu.memory_space<vmem>>
        %dma_start3A_529 = tpu.memref_slice %arg5[%add3A_521] : memref<100000xi32, #tpu.memory_space<hbm>> -> memref<128xi32, #tpu.memory_space<hbm>>
        tpu.enqueue_dma source(%dma_start3A_529 : memref<128xi32, #tpu.memory_space<hbm>>) target(%dma_start3A_528 : memref<128xi32, #tpu.memory_space<vmem>>) target_semaphore(%arg23 : memref<!tpu.dma_semaphore, #tpu.memory_space<semaphore_mem>>)
      }
      %scan3A_517 = arith.constant 49 : i32
    } else {
    }
    %eq3A = arith.constant 15 : i32
    %eq3A_3 = arith.cmpi eq, %arg1, %eq3A : i32
    %convert_element_type3A_4 = arith.extui %eq3A_3 : i1 to i32
    %cond3A_5 = arith.constant 0 : i32
    %cond3A_6 = arith.cmpi ne, %convert_element_type3A_4, %cond3A_5 : i32
    scf.if %cond3A_6 {
      %dma_start3A_511 = arith.constant 0 : i32
      %dma_start3A_512 = tpu.memref_slice %arg11[%dma_start3A_511] : memref<6272xi32, #tpu.memory_space<vmem>> -> memref<5920xi32, #tpu.memory_space<vmem>>
      %dma_start3A_513 = arith.constant 94080 : i32
      %dma_start3A_514 = tpu.memref_slice %arg4[%dma_start3A_513] : memref<100000xi32, #tpu.memory_space<hbm>> -> memref<5920xi32, #tpu.memory_space<hbm>>
      %dma_start3A_515 = arith.constant 0 : i32
      %dma_start3A_516 = tpu.memref_slice %arg11[%dma_start3A_515] : memref<6272xi32, #tpu.memory_space<vmem>> -> memref<5920xi32, #tpu.memory_space<vmem>>
      %dma_start3A_517 = arith.constant 94080 : i32
      %dma_start3A_518 = tpu.memref_slice %arg4[%dma_start3A_517] : memref<100000xi32, #tpu.memory_space<hbm>> -> memref<5920xi32, #tpu.memory_space<hbm>>
      tpu.enqueue_dma source(%dma_start3A_518 : memref<5920xi32, #tpu.memory_space<hbm>>) target(%dma_start3A_516 : memref<5920xi32, #tpu.memory_space<vmem>>) target_semaphore(%arg23 : memref<!tpu.dma_semaphore, #tpu.memory_space<semaphore_mem>>)
      %scan3A = arith.constant 0 : i32
      %scan3A_519 = arith.constant 0 : i32
      %scan3A_520 = arith.constant 46 : i32
      %scan3A_521 = arith.addi %scan3A_519, %scan3A_520 : i32
      %scan3A_522 = arith.constant 1 : i32
      scf.for %scan3A_535 = %scan3A_519 to %scan3A_521 step %scan3A_522  : i32 {
        %mul3A_536 = arith.constant 128 : i32
        %mul3A_537 = arith.muli %scan3A_535, %mul3A_536 : i32
        %add3A_538 = arith.constant 94080 : i32
        %add3A_539 = arith.addi %add3A_538, %mul3A_537 : i32
        %dma_start3A_540 = arith.constant 0 : i32
        %dma_start3A_541 = tpu.memref_slice %arg12[%scan3A_535, %dma_start3A_540] : memref<49x128xi32, #tpu.memory_space<vmem>> -> memref<1x128xi32, #tpu.memory_space<vmem>>
        %dma_start3A_542 = tpu.memref_squeeze %dma_start3A_541 : memref<1x128xi32, #tpu.memory_space<vmem>> -> memref<128xi32, #tpu.memory_space<vmem>>
        %dma_start3A_543 = tpu.memref_slice %arg5[%add3A_539] : memref<100000xi32, #tpu.memory_space<hbm>> -> memref<128xi32, #tpu.memory_space<hbm>>
        %dma_start3A_544 = arith.constant 0 : i32
        %dma_start3A_545 = tpu.memref_slice %arg12[%scan3A_535, %dma_start3A_544] : memref<49x128xi32, #tpu.memory_space<vmem>> -> memref<1x128xi32, #tpu.memory_space<vmem>>
        %dma_start3A_546 = tpu.memref_squeeze %dma_start3A_545 : memref<1x128xi32, #tpu.memory_space<vmem>> -> memref<128xi32, #tpu.memory_space<vmem>>
        %dma_start3A_547 = tpu.memref_slice %arg5[%add3A_539] : memref<100000xi32, #tpu.memory_space<hbm>> -> memref<128xi32, #tpu.memory_space<hbm>>
        tpu.enqueue_dma source(%dma_start3A_547 : memref<128xi32, #tpu.memory_space<hbm>>) target(%dma_start3A_546 : memref<128xi32, #tpu.memory_space<vmem>>) target_semaphore(%arg23 : memref<!tpu.dma_semaphore, #tpu.memory_space<semaphore_mem>>)
      }
      %scan3A_523 = arith.constant 46 : i32
      %dma_start3A_524 = arith.constant 46 : i32
      %dma_start3A_525 = arith.constant 0 : i32
      %dma_start3A_526 = tpu.memref_slice %arg12[%dma_start3A_524, %dma_start3A_525] : memref<49x128xi32, #tpu.memory_space<vmem>> -> memref<1x32xi32, #tpu.memory_space<vmem>>
      %dma_start3A_527 = tpu.memref_squeeze %dma_start3A_526 : memref<1x32xi32, #tpu.memory_space<vmem>> -> memref<32xi32, #tpu.memory_space<vmem>>
      %dma_start3A_528 = arith.constant 99968 : i32
      %dma_start3A_529 = tpu.memref_slice %arg5[%dma_start3A_528] : memref<100000xi32, #tpu.memory_space<hbm>> -> memref<32xi32, #tpu.memory_space<hbm>>
      %dma_start3A_530 = arith.constant 0 : i32
      %dma_start3A_531 = tpu.memref_slice %arg12[%dma_start3A_524, %dma_start3A_530] : memref<49x128xi32, #tpu.memory_space<vmem>> -> memref<1x32xi32, #tpu.memory_space<vmem>>
      %dma_start3A_532 = tpu.memref_squeeze %dma_start3A_531 : memref<1x32xi32, #tpu.memory_space<vmem>> -> memref<32xi32, #tpu.memory_space<vmem>>
      %dma_start3A_533 = arith.constant 99968 : i32
      %dma_start3A_534 = tpu.memref_slice %arg5[%dma_start3A_533] : memref<100000xi32, #tpu.memory_space<hbm>> -> memref<32xi32, #tpu.memory_space<hbm>>
      tpu.enqueue_dma source(%dma_start3A_534 : memref<32xi32, #tpu.memory_space<hbm>>) target(%dma_start3A_532 : memref<32xi32, #tpu.memory_space<vmem>>) target_semaphore(%arg23 : memref<!tpu.dma_semaphore, #tpu.memory_space<semaphore_mem>>)
    } else {
    }
    tpu.enqueue_dma source(%arg8 : memref<119xf32, #tpu.memory_space<hbm>>) target(%arg10 : memref<119xf32, #tpu.memory_space<vmem>>) target_semaphore(%arg23 : memref<!tpu.dma_semaphore, #tpu.memory_space<semaphore_mem>>)
    %mul3A_7 = arith.constant 256 : i32
    %mul3A_8 = arith.muli %arg1, %mul3A_7 : i32
    %dma_start3A = tpu.memref_slice %arg2[%mul3A_8] : memref<4096xf32, #tpu.memory_space<hbm>> -> memref<256xf32, #tpu.memory_space<hbm>>
    %dma_start3A_9 = tpu.memref_slice %arg2[%mul3A_8] : memref<4096xf32, #tpu.memory_space<hbm>> -> memref<256xf32, #tpu.memory_space<hbm>>
    tpu.enqueue_dma source(%dma_start3A_9 : memref<256xf32, #tpu.memory_space<hbm>>) target(%arg16 : memref<256xf32, #tpu.memory_space<vmem>>) target_semaphore(%arg24 : memref<!tpu.dma_semaphore, #tpu.memory_space<semaphore_mem>>)
    %dma_start3A_10 = tpu.memref_slice %arg3[%mul3A_8] : memref<4096xi32, #tpu.memory_space<hbm>> -> memref<256xi32, #tpu.memory_space<hbm>>
    %dma_start3A_11 = tpu.memref_slice %arg3[%mul3A_8] : memref<4096xi32, #tpu.memory_space<hbm>> -> memref<256xi32, #tpu.memory_space<hbm>>
    tpu.enqueue_dma source(%dma_start3A_11 : memref<256xi32, #tpu.memory_space<hbm>>) target(%arg17 : memref<256xi32, #tpu.memory_space<vmem>>) target_semaphore(%arg24 : memref<!tpu.dma_semaphore, #tpu.memory_space<semaphore_mem>>)
    %broadcast_in_dim3A = arith.constant 0.000000e+00 : f32
    %broadcast_in_dim3A_12 = vector.broadcast %broadcast_in_dim3A : f32 to vector<16xf32>
    %swap3A = arith.constant 0 : index
    %swap3A_13 = tpu.vector_load %arg14[%swap3A] {strides = array<i32>} : memref<272xf32, #tpu.memory_space<vmem>>, vector<16xf32>,
    tpu.vector_store %arg14[%swap3A], %broadcast_in_dim3A_12 {strides = array<i32>} : memref<272xf32, #tpu.memory_space<vmem>>, vector<16xf32>,
    %broadcast_in_dim3A_14 = arith.constant 0.000000e+00 : f32
    %broadcast_in_dim3A_15 = vector.broadcast %broadcast_in_dim3A_14 : f32 to vector<16xf32>
    %swap3A_16 = arith.constant 16 : index
    %swap3A_17 = tpu.vector_load %arg14[%swap3A_16] {strides = array<i32>} : memref<272xf32, #tpu.memory_space<vmem>>, vector<16xf32>,
    tpu.vector_store %arg14[%swap3A_16], %broadcast_in_dim3A_15 {strides = array<i32>} : memref<272xf32, #tpu.memory_space<vmem>>, vector<16xf32>,
    %broadcast_in_dim3A_18 = arith.constant 0.000000e+00 : f32
    %broadcast_in_dim3A_19 = vector.broadcast %broadcast_in_dim3A_18 : f32 to vector<16xf32>
    %swap3A_20 = arith.constant 32 : index
    %swap3A_21 = tpu.vector_load %arg14[%swap3A_20] {strides = array<i32>} : memref<272xf32, #tpu.memory_space<vmem>>, vector<16xf32>,
    tpu.vector_store %arg14[%swap3A_20], %broadcast_in_dim3A_19 {strides = array<i32>} : memref<272xf32, #tpu.memory_space<vmem>>, vector<16xf32>,
    %broadcast_in_dim3A_22 = arith.constant 0.000000e+00 : f32
    %broadcast_in_dim3A_23 = vector.broadcast %broadcast_in_dim3A_22 : f32 to vector<16xf32>
    %swap3A_24 = arith.constant 48 : index
    %swap3A_25 = tpu.vector_load %arg14[%swap3A_24] {strides = array<i32>} : memref<272xf32, #tpu.memory_space<vmem>>, vector<16xf32>,
    tpu.vector_store %arg14[%swap3A_24], %broadcast_in_dim3A_23 {strides = array<i32>} : memref<272xf32, #tpu.memory_space<vmem>>, vector<16xf32>,
    %broadcast_in_dim3A_26 = arith.constant 0.000000e+00 : f32
    %broadcast_in_dim3A_27 = vector.broadcast %broadcast_in_dim3A_26 : f32 to vector<16xf32>
    %swap3A_28 = arith.constant 64 : index
    %swap3A_29 = tpu.vector_load %arg14[%swap3A_28] {strides = array<i32>} : memref<272xf32, #tpu.memory_space<vmem>>, vector<16xf32>,
    tpu.vector_store %arg14[%swap3A_28], %broadcast_in_dim3A_27 {strides = array<i32>} : memref<272xf32, #tpu.memory_space<vmem>>, vector<16xf32>,
    %broadcast_in_dim3A_30 = arith.constant 0.000000e+00 : f32
    %broadcast_in_dim3A_31 = vector.broadcast %broadcast_in_dim3A_30 : f32 to vector<16xf32>
    %swap3A_32 = arith.constant 80 : index
    %swap3A_33 = tpu.vector_load %arg14[%swap3A_32] {strides = array<i32>} : memref<272xf32, #tpu.memory_space<vmem>>, vector<16xf32>,
    tpu.vector_store %arg14[%swap3A_32], %broadcast_in_dim3A_31 {strides = array<i32>} : memref<272xf32, #tpu.memory_space<vmem>>, vector<16xf32>,
    %broadcast_in_dim3A_34 = arith.constant 0.000000e+00 : f32
    %broadcast_in_dim3A_35 = vector.broadcast %broadcast_in_dim3A_34 : f32 to vector<16xf32>
    %swap3A_36 = arith.constant 96 : index
    %swap3A_37 = tpu.vector_load %arg14[%swap3A_36] {strides = array<i32>} : memref<272xf32, #tpu.memory_space<vmem>>, vector<16xf32>,
    tpu.vector_store %arg14[%swap3A_36], %broadcast_in_dim3A_35 {strides = array<i32>} : memref<272xf32, #tpu.memory_space<vmem>>, vector<16xf32>,
    %broadcast_in_dim3A_38 = arith.constant 0.000000e+00 : f32
    %broadcast_in_dim3A_39 = vector.broadcast %broadcast_in_dim3A_38 : f32 to vector<16xf32>
    %swap3A_40 = arith.constant 112 : index
    %swap3A_41 = tpu.vector_load %arg14[%swap3A_40] {strides = array<i32>} : memref<272xf32, #tpu.memory_space<vmem>>, vector<16xf32>,
    tpu.vector_store %arg14[%swap3A_40], %broadcast_in_dim3A_39 {strides = array<i32>} : memref<272xf32, #tpu.memory_space<vmem>>, vector<16xf32>,
    %broadcast_in_dim3A_42 = arith.constant 0.000000e+00 : f32
    %broadcast_in_dim3A_43 = vector.broadcast %broadcast_in_dim3A_42 : f32 to vector<16xf32>
    %swap3A_44 = arith.constant 128 : index
    %swap3A_45 = tpu.vector_load %arg14[%swap3A_44] {strides = array<i32>} : memref<272xf32, #tpu.memory_space<vmem>>, vector<16xf32>,
    tpu.vector_store %arg14[%swap3A_44], %broadcast_in_dim3A_43 {strides = array<i32>} : memref<272xf32, #tpu.memory_space<vmem>>, vector<16xf32>,
    %broadcast_in_dim3A_46 = arith.constant 0.000000e+00 : f32
    %broadcast_in_dim3A_47 = vector.broadcast %broadcast_in_dim3A_46 : f32 to vector<16xf32>
    %swap3A_48 = arith.constant 144 : index
    %swap3A_49 = tpu.vector_load %arg14[%swap3A_48] {strides = array<i32>} : memref<272xf32, #tpu.memory_space<vmem>>, vector<16xf32>,
    tpu.vector_store %arg14[%swap3A_48], %broadcast_in_dim3A_47 {strides = array<i32>} : memref<272xf32, #tpu.memory_space<vmem>>, vector<16xf32>,
    %broadcast_in_dim3A_50 = arith.constant 0.000000e+00 : f32
    %broadcast_in_dim3A_51 = vector.broadcast %broadcast_in_dim3A_50 : f32 to vector<16xf32>
    %swap3A_52 = arith.constant 160 : index
    %swap3A_53 = tpu.vector_load %arg14[%swap3A_52] {strides = array<i32>} : memref<272xf32, #tpu.memory_space<vmem>>, vector<16xf32>,
    tpu.vector_store %arg14[%swap3A_52], %broadcast_in_dim3A_51 {strides = array<i32>} : memref<272xf32, #tpu.memory_space<vmem>>, vector<16xf32>,
    %broadcast_in_dim3A_54 = arith.constant 0.000000e+00 : f32
    %broadcast_in_dim3A_55 = vector.broadcast %broadcast_in_dim3A_54 : f32 to vector<16xf32>
    %swap3A_56 = arith.constant 176 : index
    %swap3A_57 = tpu.vector_load %arg14[%swap3A_56] {strides = array<i32>} : memref<272xf32, #tpu.memory_space<vmem>>, vector<16xf32>,
    tpu.vector_store %arg14[%swap3A_56], %broadcast_in_dim3A_55 {strides = array<i32>} : memref<272xf32, #tpu.memory_space<vmem>>, vector<16xf32>,
    %broadcast_in_dim3A_58 = arith.constant 0.000000e+00 : f32
    %broadcast_in_dim3A_59 = vector.broadcast %broadcast_in_dim3A_58 : f32 to vector<16xf32>
    %swap3A_60 = arith.constant 192 : index
    %swap3A_61 = tpu.vector_load %arg14[%swap3A_60] {strides = array<i32>} : memref<272xf32, #tpu.memory_space<vmem>>, vector<16xf32>,
    tpu.vector_store %arg14[%swap3A_60], %broadcast_in_dim3A_59 {strides = array<i32>} : memref<272xf32, #tpu.memory_space<vmem>>, vector<16xf32>,
    %broadcast_in_dim3A_62 = arith.constant 0.000000e+00 : f32
    %broadcast_in_dim3A_63 = vector.broadcast %broadcast_in_dim3A_62 : f32 to vector<16xf32>
    %swap3A_64 = arith.constant 208 : index
    %swap3A_65 = tpu.vector_load %arg14[%swap3A_64] {strides = array<i32>} : memref<272xf32, #tpu.memory_space<vmem>>, vector<16xf32>,
    tpu.vector_store %arg14[%swap3A_64], %broadcast_in_dim3A_63 {strides = array<i32>} : memref<272xf32, #tpu.memory_space<vmem>>, vector<16xf32>,
    %broadcast_in_dim3A_66 = arith.constant 0.000000e+00 : f32
    %broadcast_in_dim3A_67 = vector.broadcast %broadcast_in_dim3A_66 : f32 to vector<16xf32>
    %swap3A_68 = arith.constant 224 : index
    %swap3A_69 = tpu.vector_load %arg14[%swap3A_68] {strides = array<i32>} : memref<272xf32, #tpu.memory_space<vmem>>, vector<16xf32>,
    tpu.vector_store %arg14[%swap3A_68], %broadcast_in_dim3A_67 {strides = array<i32>} : memref<272xf32, #tpu.memory_space<vmem>>, vector<16xf32>,
    %broadcast_in_dim3A_70 = arith.constant 0.000000e+00 : f32
    %broadcast_in_dim3A_71 = vector.broadcast %broadcast_in_dim3A_70 : f32 to vector<16xf32>
    %swap3A_72 = arith.constant 240 : index
    %swap3A_73 = tpu.vector_load %arg14[%swap3A_72] {strides = array<i32>} : memref<272xf32, #tpu.memory_space<vmem>>, vector<16xf32>,
    tpu.vector_store %arg14[%swap3A_72], %broadcast_in_dim3A_71 {strides = array<i32>} : memref<272xf32, #tpu.memory_space<vmem>>, vector<16xf32>,
    %broadcast_in_dim3A_74 = arith.constant 0.000000e+00 : f32
    %broadcast_in_dim3A_75 = vector.broadcast %broadcast_in_dim3A_74 : f32 to vector<16xf32>
    %swap3A_76 = arith.constant 256 : index
    %swap3A_77 = tpu.vector_load %arg14[%swap3A_76] {strides = array<i32>} : memref<272xf32, #tpu.memory_space<vmem>>, vector<16xf32>,
    tpu.vector_store %arg14[%swap3A_76], %broadcast_in_dim3A_75 {strides = array<i32>} : memref<272xf32, #tpu.memory_space<vmem>>, vector<16xf32>,
    %mul3A_78 = arith.constant 272 : i32
    %mul3A_79 = arith.muli %arg1, %mul3A_78 : i32
    "tpu.region"() ({
      %run_scoped3A = tpu.sem_alloc : memref<!tpu.dma_semaphore, #tpu.memory_space<semaphore_mem>>
      %dma_start3A_511 = tpu.memref_slice %arg15[%mul3A_79] : memref<4352xf32, #tpu.memory_space<vmem_shared>> -> memref<272xf32, #tpu.memory_space<vmem_shared>>
      %dma_start3A_512 = tpu.memref_slice %arg15[%mul3A_79] : memref<4352xf32, #tpu.memory_space<vmem_shared>> -> memref<272xf32, #tpu.memory_space<vmem_shared>>
      tpu.enqueue_dma source(%arg14 : memref<272xf32, #tpu.memory_space<vmem>>) target(%dma_start3A_512 : memref<272xf32, #tpu.memory_space<vmem_shared>>) target_semaphore(%run_scoped3A : memref<!tpu.dma_semaphore, #tpu.memory_space<semaphore_mem>>)
      %dma_wait3A_513 = tpu.memref_slice %arg15[%mul3A_79] : memref<4352xf32, #tpu.memory_space<vmem_shared>> -> memref<272xf32, #tpu.memory_space<vmem_shared>>
      %dma_wait3A_514 = tpu.memref_slice %arg15[%mul3A_79] : memref<4352xf32, #tpu.memory_space<vmem_shared>> -> memref<272xf32, #tpu.memory_space<vmem_shared>>
      tpu.wait_dma2 semaphore(%run_scoped3A : memref<!tpu.dma_semaphore, #tpu.memory_space<semaphore_mem>>) src(%arg14 : memref<272xf32, #tpu.memory_space<vmem>>) dst(%dma_wait3A_514 : memref<272xf32, #tpu.memory_space<vmem_shared>>)
      tpu.yield
    }) : () -> ()
    %lt3A_80 = arith.constant 15 : i32
    %lt3A_81 = arith.cmpi slt, %arg1, %lt3A_80 : i32
    %convert_element_type3A_82 = arith.extui %lt3A_81 : i1 to i32
    %cond3A_83 = arith.constant 0 : i32
    %cond3A_84 = arith.cmpi ne, %convert_element_type3A_82, %cond3A_83 : i32
    scf.if %cond3A_84 {
      %dma_wait3A_511 = arith.constant 0 : i32
      %dma_wait3A_512 = tpu.memref_slice %arg4[%dma_wait3A_511] : memref<100000xi32, #tpu.memory_space<hbm>> -> memref<6272xi32, #tpu.memory_space<hbm>>
      %dma_wait3A_513 = arith.constant 0 : i32
      %dma_wait3A_514 = tpu.memref_slice %arg4[%dma_wait3A_513] : memref<100000xi32, #tpu.memory_space<hbm>> -> memref<6272xi32, #tpu.memory_space<hbm>>
      tpu.wait_dma2 semaphore(%arg23 : memref<!tpu.dma_semaphore, #tpu.memory_space<semaphore_mem>>) src(%dma_wait3A_514 : memref<6272xi32, #tpu.memory_space<hbm>>) dst(%arg11 : memref<6272xi32, #tpu.memory_space<vmem>>)
      %dma_wait3A_515 = arith.constant 0 : i32
      %dma_wait3A_516 = tpu.memref_slice %arg4[%dma_wait3A_515] : memref<100000xi32, #tpu.memory_space<hbm>> -> memref<6272xi32, #tpu.memory_space<hbm>>
      %dma_wait3A_517 = arith.constant 0 : i32
      %dma_wait3A_518 = tpu.memref_slice %arg4[%dma_wait3A_517] : memref<100000xi32, #tpu.memory_space<hbm>> -> memref<6272xi32, #tpu.memory_space<hbm>>
      tpu.wait_dma2 semaphore(%arg23 : memref<!tpu.dma_semaphore, #tpu.memory_space<semaphore_mem>>) src(%dma_wait3A_518 : memref<6272xi32, #tpu.memory_space<hbm>>) dst(%arg11 : memref<6272xi32, #tpu.memory_space<vmem>>)
    } else {
    }
    %eq3A_85 = arith.constant 15 : i32
    %eq3A_86 = arith.cmpi eq, %arg1, %eq3A_85 : i32
    %convert_element_type3A_87 = arith.extui %eq3A_86 : i1 to i32
    %cond3A_88 = arith.constant 0 : i32
    %cond3A_89 = arith.cmpi ne, %convert_element_type3A_87, %cond3A_88 : i32
    scf.if %cond3A_89 {
      %dma_wait3A_511 = arith.constant 0 : i32
      %dma_wait3A_512 = tpu.memref_slice %arg11[%dma_wait3A_511] : memref<6272xi32, #tpu.memory_space<vmem>> -> memref<5920xi32, #tpu.memory_space<vmem>>
      %dma_wait3A_513 = arith.constant 0 : i32
      %dma_wait3A_514 = tpu.memref_slice %arg4[%dma_wait3A_513] : memref<100000xi32, #tpu.memory_space<hbm>> -> memref<5920xi32, #tpu.memory_space<hbm>>
      %dma_wait3A_515 = arith.constant 0 : i32
      %dma_wait3A_516 = tpu.memref_slice %arg11[%dma_wait3A_515] : memref<6272xi32, #tpu.memory_space<vmem>> -> memref<5920xi32, #tpu.memory_space<vmem>>
      %dma_wait3A_517 = arith.constant 0 : i32
      %dma_wait3A_518 = tpu.memref_slice %arg4[%dma_wait3A_517] : memref<100000xi32, #tpu.memory_space<hbm>> -> memref<5920xi32, #tpu.memory_space<hbm>>
      tpu.wait_dma2 semaphore(%arg23 : memref<!tpu.dma_semaphore, #tpu.memory_space<semaphore_mem>>) src(%dma_wait3A_518 : memref<5920xi32, #tpu.memory_space<hbm>>) dst(%dma_wait3A_516 : memref<5920xi32, #tpu.memory_space<vmem>>)
      %dma_wait3A_519 = arith.constant 0 : i32
      %dma_wait3A_520 = tpu.memref_slice %arg11[%dma_wait3A_519] : memref<6272xi32, #tpu.memory_space<vmem>> -> memref<5920xi32, #tpu.memory_space<vmem>>
      %dma_wait3A_521 = arith.constant 0 : i32
      %dma_wait3A_522 = tpu.memref_slice %arg4[%dma_wait3A_521] : memref<100000xi32, #tpu.memory_space<hbm>> -> memref<5920xi32, #tpu.memory_space<hbm>>
      %dma_wait3A_523 = arith.constant 0 : i32
      %dma_wait3A_524 = tpu.memref_slice %arg11[%dma_wait3A_523] : memref<6272xi32, #tpu.memory_space<vmem>> -> memref<5920xi32, #tpu.memory_space<vmem>>
      %dma_wait3A_525 = arith.constant 0 : i32
      %dma_wait3A_526 = tpu.memref_slice %arg4[%dma_wait3A_525] : memref<100000xi32, #tpu.memory_space<hbm>> -> memref<5920xi32, #tpu.memory_space<hbm>>
      tpu.wait_dma2 semaphore(%arg23 : memref<!tpu.dma_semaphore, #tpu.memory_space<semaphore_mem>>) src(%dma_wait3A_526 : memref<5920xi32, #tpu.memory_space<hbm>>) dst(%dma_wait3A_524 : memref<5920xi32, #tpu.memory_space<vmem>>)
      %broadcast_in_dim3A_527 = arith.constant 4096 : i32
      %broadcast_in_dim3A_528 = vector.broadcast %broadcast_in_dim3A_527 : i32 to vector<16xi32>
      %broadcast_in_dim3A_529 = arith.constant 0 : i32
      %broadcast_in_dim3A_530 = vector.broadcast %broadcast_in_dim3A_529 : i32 to vector<16xi32>
      %swap3A_531 = arith.constant 5920 : index
      %swap3A_532 = tpu.vector_load %arg11[%swap3A_531] {strides = array<i32>} : memref<6272xi32, #tpu.memory_space<vmem>>, vector<16xi32>,
      tpu.vector_store %arg11[%swap3A_531], %broadcast_in_dim3A_530 {strides = array<i32>} : memref<6272xi32, #tpu.memory_space<vmem>>, vector<16xi32>,
      %swap3A_533 = arith.constant 46 : i32
      %swap3A_534 = arith.index_cast %swap3A_533 : i32 to index
      %swap3A_535 = arith.constant 32 : index
      %swap3A_536 = tpu.vector_load %arg12[%swap3A_534, %swap3A_535] {strides = array<i32>} : memref<49x128xi32, #tpu.memory_space<vmem>>, vector<16xi32>,
      tpu.vector_store %arg12[%swap3A_534, %swap3A_535], %broadcast_in_dim3A_528 {strides = array<i32>} : memref<49x128xi32, #tpu.memory_space<vmem>>, vector<16xi32>,
      %swap3A_537 = arith.constant 5936 : index
      %swap3A_538 = tpu.vector_load %arg11[%swap3A_537] {strides = array<i32>} : memref<6272xi32, #tpu.memory_space<vmem>>, vector<16xi32>,
      tpu.vector_store %arg11[%swap3A_537], %broadcast_in_dim3A_530 {strides = array<i32>} : memref<6272xi32, #tpu.memory_space<vmem>>, vector<16xi32>,
      %swap3A_539 = arith.constant 46 : i32
      %swap3A_540 = arith.index_cast %swap3A_539 : i32 to index
      %swap3A_541 = arith.constant 48 : index
      %swap3A_542 = tpu.vector_load %arg12[%swap3A_540, %swap3A_541] {strides = array<i32>} : memref<49x128xi32, #tpu.memory_space<vmem>>, vector<16xi32>,
      tpu.vector_store %arg12[%swap3A_540, %swap3A_541], %broadcast_in_dim3A_528 {strides = array<i32>} : memref<49x128xi32, #tpu.memory_space<vmem>>, vector<16xi32>,
      %swap3A_543 = arith.constant 5952 : index
      %swap3A_544 = tpu.vector_load %arg11[%swap3A_543] {strides = array<i32>} : memref<6272xi32, #tpu.memory_space<vmem>>, vector<16xi32>,
      tpu.vector_store %arg11[%swap3A_543], %broadcast_in_dim3A_530 {strides = array<i32>} : memref<6272xi32, #tpu.memory_space<vmem>>, vector<16xi32>,
      %swap3A_545 = arith.constant 46 : i32
      %swap3A_546 = arith.index_cast %swap3A_545 : i32 to index
      %swap3A_547 = arith.constant 64 : index
      %swap3A_548 = tpu.vector_load %arg12[%swap3A_546, %swap3A_547] {strides = array<i32>} : memref<49x128xi32, #tpu.memory_space<vmem>>, vector<16xi32>,
      tpu.vector_store %arg12[%swap3A_546, %swap3A_547], %broadcast_in_dim3A_528 {strides = array<i32>} : memref<49x128xi32, #tpu.memory_space<vmem>>, vector<16xi32>,
      %swap3A_549 = arith.constant 5968 : index
      %swap3A_550 = tpu.vector_load %arg11[%swap3A_549] {strides = array<i32>} : memref<6272xi32, #tpu.memory_space<vmem>>, vector<16xi32>,
      tpu.vector_store %arg11[%swap3A_549], %broadcast_in_dim3A_530 {strides = array<i32>} : memref<6272xi32, #tpu.memory_space<vmem>>, vector<16xi32>,
      %swap3A_551 = arith.constant 46 : i32
      %swap3A_552 = arith.index_cast %swap3A_551 : i32 to index
      %swap3A_553 = arith.constant 80 : index
      %swap3A_554 = tpu.vector_load %arg12[%swap3A_552, %swap3A_553] {strides = array<i32>} : memref<49x128xi32, #tpu.memory_space<vmem>>, vector<16xi32>,
      tpu.vector_store %arg12[%swap3A_552, %swap3A_553], %broadcast_in_dim3A_528 {strides = array<i32>} : memref<49x128xi32, #tpu.memory_space<vmem>>, vector<16xi32>,
      %swap3A_555 = arith.constant 5984 : index
      %swap3A_556 = tpu.vector_load %arg11[%swap3A_555] {strides = array<i32>} : memref<6272xi32, #tpu.memory_space<vmem>>, vector<16xi32>,
      tpu.vector_store %arg11[%swap3A_555], %broadcast_in_dim3A_530 {strides = array<i32>} : memref<6272xi32, #tpu.memory_space<vmem>>, vector<16xi32>,
      %swap3A_557 = arith.constant 46 : i32
      %swap3A_558 = arith.index_cast %swap3A_557 : i32 to index
      %swap3A_559 = arith.constant 96 : index
      %swap3A_560 = tpu.vector_load %arg12[%swap3A_558, %swap3A_559] {strides = array<i32>} : memref<49x128xi32, #tpu.memory_space<vmem>>, vector<16xi32>,
      tpu.vector_store %arg12[%swap3A_558, %swap3A_559], %broadcast_in_dim3A_528 {strides = array<i32>} : memref<49x128xi32, #tpu.memory_space<vmem>>, vector<16xi32>,
      %swap3A_561 = arith.constant 6000 : index
      %swap3A_562 = tpu.vector_load %arg11[%swap3A_561] {strides = array<i32>} : memref<6272xi32, #tpu.memory_space<vmem>>, vector<16xi32>,
      tpu.vector_store %arg11[%swap3A_561], %broadcast_in_dim3A_530 {strides = array<i32>} : memref<6272xi32, #tpu.memory_space<vmem>>, vector<16xi32>,
      %swap3A_563 = arith.constant 46 : i32
      %swap3A_564 = arith.index_cast %swap3A_563 : i32 to index
      %swap3A_565 = arith.constant 112 : index
      %swap3A_566 = tpu.vector_load %arg12[%swap3A_564, %swap3A_565] {strides = array<i32>} : memref<49x128xi32, #tpu.memory_space<vmem>>, vector<16xi32>,
      tpu.vector_store %arg12[%swap3A_564, %swap3A_565], %broadcast_in_dim3A_528 {strides = array<i32>} : memref<49x128xi32, #tpu.memory_space<vmem>>, vector<16xi32>,
    } else {
    }
    tpu.wait_dma2 semaphore(%arg23 : memref<!tpu.dma_semaphore, #tpu.memory_space<semaphore_mem>>) src(%arg8 : memref<119xf32, #tpu.memory_space<hbm>>) dst(%arg10 : memref<119xf32, #tpu.memory_space<vmem>>)
    %barrier3A = arith.constant 0 : index
    tpu.barrier barrier_id(%barrier3A)
    %eq3A_90 = arith.constant 15 : i32
    %eq3A_91 = arith.cmpi eq, %arg1, %eq3A_90 : i32
    %jit3A = arith.constant 47 : i32
    %jit3A_92 = arith.constant 49 : i32
    %select_n3A = arith.select %eq3A_91, %jit3A, %jit3A_92 : i32
    %while3A = arith.constant 0 : i32
    %while3A_93 = arith.constant 0 : i32
    %while3A_94 = arith.subi %select_n3A, %while3A_93 : i32
    %while3A_95 = arith.addi %while3A_93, %while3A_94 : i32
    %while3A_96 = arith.constant 1 : i32
    %while3A_97 = arith.divsi %while3A_94, %while3A_96 : i32
    %while3A_98 = arith.muli %while3A_97, %while3A_96 : i32
    %while3A_99 = arith.addi %while3A_93, %while3A_98 : i32
    %while3A_100 = arith.constant 1 : i32
    scf.for %while3A_511 = %while3A_93 to %while3A_99 step %while3A_100  : i32 {
      %mul3A_512 = arith.constant 128 : i32
      %mul3A_513 = arith.muli %while3A_511, %mul3A_512 : i32
      %add3A_514 = arith.constant 0 : i32
      %add3A_515 = arith.addi %mul3A_513, %add3A_514 : i32
      %get3A_516 = arith.index_cast %add3A_515 : i32 to index
      %get3A_517 = tpu.vector_load %arg11[%get3A_516] {strides = array<i32>} : memref<6272xi32, #tpu.memory_space<vmem>>, vector<16xi32>,
      %gather3A_518 = tpu.vector_load_idx %arg10[%get3A_517] : memref<119xf32, #tpu.memory_space<vmem>>[vector<16xi32>], vector<16xf32>,
      %swap3A_519 = arith.index_cast %add3A_515 : i32 to index
      %swap3A_520 = tpu.vector_load %arg13[%swap3A_519] {strides = array<i32>} : memref<6272xf32, #tpu.memory_space<vmem>>, vector<16xf32>,
      tpu.vector_store %arg13[%swap3A_519], %gather3A_518 {strides = array<i32>} : memref<6272xf32, #tpu.memory_space<vmem>>, vector<16xf32>,
      %mul3A_521 = arith.constant 128 : i32
      %mul3A_522 = arith.muli %while3A_511, %mul3A_521 : i32
      %add3A_523 = arith.constant 16 : i32
      %add3A_524 = arith.addi %mul3A_522, %add3A_523 : i32
      %get3A_525 = arith.index_cast %add3A_524 : i32 to index
      %get3A_526 = tpu.vector_load %arg11[%get3A_525] {strides = array<i32>} : memref<6272xi32, #tpu.memory_space<vmem>>, vector<16xi32>,
      %gather3A_527 = tpu.vector_load_idx %arg10[%get3A_526] : memref<119xf32, #tpu.memory_space<vmem>>[vector<16xi32>], vector<16xf32>,
      %swap3A_528 = arith.index_cast %add3A_524 : i32 to index
      %swap3A_529 = tpu.vector_load %arg13[%swap3A_528] {strides = array<i32>} : memref<6272xf32, #tpu.memory_space<vmem>>, vector<16xf32>,
      tpu.vector_store %arg13[%swap3A_528], %gather3A_527 {strides = array<i32>} : memref<6272xf32, #tpu.memory_space<vmem>>, vector<16xf32>,
      %mul3A_530 = arith.constant 128 : i32
      %mul3A_531 = arith.muli %while3A_511, %mul3A_530 : i32
      %add3A_532 = arith.constant 32 : i32
      %add3A_533 = arith.addi %mul3A_531, %add3A_532 : i32
      %get3A_534 = arith.index_cast %add3A_533 : i32 to index
      %get3A_535 = tpu.vector_load %arg11[%get3A_534] {strides = array<i32>} : memref<6272xi32, #tpu.memory_space<vmem>>, vector<16xi32>,
      %gather3A_536 = tpu.vector_load_idx %arg10[%get3A_535] : memref<119xf32, #tpu.memory_space<vmem>>[vector<16xi32>], vector<16xf32>,
      %swap3A_537 = arith.index_cast %add3A_533 : i32 to index
      %swap3A_538 = tpu.vector_load %arg13[%swap3A_537] {strides = array<i32>} : memref<6272xf32, #tpu.memory_space<vmem>>, vector<16xf32>,
      tpu.vector_store %arg13[%swap3A_537], %gather3A_536 {strides = array<i32>} : memref<6272xf32, #tpu.memory_space<vmem>>, vector<16xf32>,
      %mul3A_539 = arith.constant 128 : i32
      %mul3A_540 = arith.muli %while3A_511, %mul3A_539 : i32
      %add3A_541 = arith.constant 48 : i32
      %add3A_542 = arith.addi %mul3A_540, %add3A_541 : i32
      %get3A_543 = arith.index_cast %add3A_542 : i32 to index
      %get3A_544 = tpu.vector_load %arg11[%get3A_543] {strides = array<i32>} : memref<6272xi32, #tpu.memory_space<vmem>>, vector<16xi32>,
      %gather3A_545 = tpu.vector_load_idx %arg10[%get3A_544] : memref<119xf32, #tpu.memory_space<vmem>>[vector<16xi32>], vector<16xf32>,
      %swap3A_546 = arith.index_cast %add3A_542 : i32 to index
      %swap3A_547 = tpu.vector_load %arg13[%swap3A_546] {strides = array<i32>} : memref<6272xf32, #tpu.memory_space<vmem>>, vector<16xf32>,
      tpu.vector_store %arg13[%swap3A_546], %gather3A_545 {strides = array<i32>} : memref<6272xf32, #tpu.memory_space<vmem>>, vector<16xf32>,
      %mul3A_548 = arith.constant 128 : i32
      %mul3A_549 = arith.muli %while3A_511, %mul3A_548 : i32
      %add3A_550 = arith.constant 64 : i32
      %add3A_551 = arith.addi %mul3A_549, %add3A_550 : i32
      %get3A_552 = arith.index_cast %add3A_551 : i32 to index
      %get3A_553 = tpu.vector_load %arg11[%get3A_552] {strides = array<i32>} : memref<6272xi32, #tpu.memory_space<vmem>>, vector<16xi32>,
      %gather3A_554 = tpu.vector_load_idx %arg10[%get3A_553] : memref<119xf32, #tpu.memory_space<vmem>>[vector<16xi32>], vector<16xf32>,
      %swap3A_555 = arith.index_cast %add3A_551 : i32 to index
      %swap3A_556 = tpu.vector_load %arg13[%swap3A_555] {strides = array<i32>} : memref<6272xf32, #tpu.memory_space<vmem>>, vector<16xf32>,
      tpu.vector_store %arg13[%swap3A_555], %gather3A_554 {strides = array<i32>} : memref<6272xf32, #tpu.memory_space<vmem>>, vector<16xf32>,
      %mul3A_557 = arith.constant 128 : i32
      %mul3A_558 = arith.muli %while3A_511, %mul3A_557 : i32
      %add3A_559 = arith.constant 80 : i32
      %add3A_560 = arith.addi %mul3A_558, %add3A_559 : i32
      %get3A_561 = arith.index_cast %add3A_560 : i32 to index
      %get3A_562 = tpu.vector_load %arg11[%get3A_561] {strides = array<i32>} : memref<6272xi32, #tpu.memory_space<vmem>>, vector<16xi32>,
      %gather3A_563 = tpu.vector_load_idx %arg10[%get3A_562] : memref<119xf32, #tpu.memory_space<vmem>>[vector<16xi32>], vector<16xf32>,
      %swap3A_564 = arith.index_cast %add3A_560 : i32 to index
      %swap3A_565 = tpu.vector_load %arg13[%swap3A_564] {strides = array<i32>} : memref<6272xf32, #tpu.memory_space<vmem>>, vector<16xf32>,
      tpu.vector_store %arg13[%swap3A_564], %gather3A_563 {strides = array<i32>} : memref<6272xf32, #tpu.memory_space<vmem>>, vector<16xf32>,
      %mul3A_566 = arith.constant 128 : i32
      %mul3A_567 = arith.muli %while3A_511, %mul3A_566 : i32
      %add3A_568 = arith.constant 96 : i32
      %add3A_569 = arith.addi %mul3A_567, %add3A_568 : i32
      %get3A_570 = arith.index_cast %add3A_569 : i32 to index
      %get3A_571 = tpu.vector_load %arg11[%get3A_570] {strides = array<i32>} : memref<6272xi32, #tpu.memory_space<vmem>>, vector<16xi32>,
      %gather3A_572 = tpu.vector_load_idx %arg10[%get3A_571] : memref<119xf32, #tpu.memory_space<vmem>>[vector<16xi32>], vector<16xf32>,
      %swap3A_573 = arith.index_cast %add3A_569 : i32 to index
      %swap3A_574 = tpu.vector_load %arg13[%swap3A_573] {strides = array<i32>} : memref<6272xf32, #tpu.memory_space<vmem>>, vector<16xf32>,
      tpu.vector_store %arg13[%swap3A_573], %gather3A_572 {strides = array<i32>} : memref<6272xf32, #tpu.memory_space<vmem>>, vector<16xf32>,
      %mul3A_575 = arith.constant 128 : i32
      %mul3A_576 = arith.muli %while3A_511, %mul3A_575 : i32
      %add3A_577 = arith.constant 112 : i32
      %add3A_578 = arith.addi %mul3A_576, %add3A_577 : i32
      %get3A_579 = arith.index_cast %add3A_578 : i32 to index
      %get3A_580 = tpu.vector_load %arg11[%get3A_579] {strides = array<i32>} : memref<6272xi32, #tpu.memory_space<vmem>>, vector<16xi32>,
      %gather3A_581 = tpu.vector_load_idx %arg10[%get3A_580] : memref<119xf32, #tpu.memory_space<vmem>>[vector<16xi32>], vector<16xf32>,
      %swap3A_582 = arith.index_cast %add3A_578 : i32 to index
      %swap3A_583 = tpu.vector_load %arg13[%swap3A_582] {strides = array<i32>} : memref<6272xf32, #tpu.memory_space<vmem>>, vector<16xf32>,
      tpu.vector_store %arg13[%swap3A_582], %gather3A_581 {strides = array<i32>} : memref<6272xf32, #tpu.memory_space<vmem>>, vector<16xf32>,
      %mul3A_584 = arith.constant 128 : i32
      %mul3A_585 = arith.muli %while3A_511, %mul3A_584 : i32
      %dma_start3A_586 = tpu.memref_slice %arg13[%mul3A_585] : memref<6272xf32, #tpu.memory_space<vmem>> -> memref<128xf32, #tpu.memory_space<vmem>>
      %dma_start3A_587 = arith.constant 0 : i32
      %dma_start3A_588 = tpu.memref_slice %arg12[%while3A_511, %dma_start3A_587] : memref<49x128xi32, #tpu.memory_space<vmem>> -> memref<1x128xi32, #tpu.memory_space<vmem>>
      %dma_start3A_589 = tpu.memref_squeeze %dma_start3A_588 : memref<1x128xi32, #tpu.memory_space<vmem>> -> memref<128xi32, #tpu.memory_space<vmem>>
      %dma_start3A_590 = arith.constant 0 : i32
      %dma_start3A_591 = tpu.memref_slice %arg15[%dma_start3A_590] : memref<4352xf32, #tpu.memory_space<vmem_shared>> -> memref<4352xf32, #tpu.memory_space<vmem_shared>>
      tpu.enqueue_indirect_dma source(%dma_start3A_586 : memref<128xf32, #tpu.memory_space<vmem>>) target(%dma_start3A_591 : memref<4352xf32, #tpu.memory_space<vmem_shared>>) offsets(%dma_start3A_589 : memref<128xi32, #tpu.memory_space<vmem>>) semaphore(%arg22 : memref<!tpu.dma_semaphore, #tpu.memory_space<semaphore_mem>>) {add = true}
      %ge3A = arith.constant 16 : i32
      %ge3A_592 = arith.cmpi sge, %while3A_511, %ge3A : i32
      %convert_element_type3A_593 = arith.extui %ge3A_592 : i1 to i32
      %cond3A_594 = arith.constant 0 : i32
      %cond3A_595 = arith.cmpi ne, %convert_element_type3A_593, %cond3A_594 : i32
      scf.if %cond3A_595 {
        %dma_wait3A_596 = arith.constant 0 : i32
        %dma_wait3A_597 = tpu.memref_slice %arg13[%dma_wait3A_596] : memref<6272xf32, #tpu.memory_space<vmem>> -> memref<128xf32, #tpu.memory_space<vmem>>
        %dma_wait3A_598 = arith.constant 0 : i32
        %dma_wait3A_599 = tpu.memref_slice %arg2[%dma_wait3A_598] : memref<4096xf32, #tpu.memory_space<hbm>> -> memref<128xf32, #tpu.memory_space<hbm>>
        %dma_wait3A_600 = arith.constant 0 : i32
        %dma_wait3A_601 = tpu.memref_slice %arg13[%dma_wait3A_600] : memref<6272xf32, #tpu.memory_space<vmem>> -> memref<128xf32, #tpu.memory_space<vmem>>
        %dma_wait3A_602 = arith.constant 0 : i32
        %dma_wait3A_603 = tpu.memref_slice %arg2[%dma_wait3A_602] : memref<4096xf32, #tpu.memory_space<hbm>> -> memref<128xf32, #tpu.memory_space<hbm>>
        tpu.wait_dma2 semaphore(%arg22 : memref<!tpu.dma_semaphore, #tpu.memory_space<semaphore_mem>>) src(%dma_wait3A_603 : memref<128xf32, #tpu.memory_space<hbm>>) dst(%dma_wait3A_601 : memref<128xf32, #tpu.memory_space<vmem>>)
      } else {
      }
    }
    %while3A_101 = arith.constant 1 : i32
    scf.for %while3A_511 = %while3A_99 to %while3A_95 step %while3A_101  : i32 {
      %mul3A_512 = arith.constant 128 : i32
      %mul3A_513 = arith.muli %while3A_511, %mul3A_512 : i32
      %add3A_514 = arith.constant 0 : i32
      %add3A_515 = arith.addi %mul3A_513, %add3A_514 : i32
      %get3A_516 = arith.index_cast %add3A_515 : i32 to index
      %get3A_517 = tpu.vector_load %arg11[%get3A_516] {strides = array<i32>} : memref<6272xi32, #tpu.memory_space<vmem>>, vector<16xi32>,
      %gather3A_518 = tpu.vector_load_idx %arg10[%get3A_517] : memref<119xf32, #tpu.memory_space<vmem>>[vector<16xi32>], vector<16xf32>,
      %swap3A_519 = arith.index_cast %add3A_515 : i32 to index
      %swap3A_520 = tpu.vector_load %arg13[%swap3A_519] {strides = array<i32>} : memref<6272xf32, #tpu.memory_space<vmem>>, vector<16xf32>,
      tpu.vector_store %arg13[%swap3A_519], %gather3A_518 {strides = array<i32>} : memref<6272xf32, #tpu.memory_space<vmem>>, vector<16xf32>,
      %mul3A_521 = arith.constant 128 : i32
      %mul3A_522 = arith.muli %while3A_511, %mul3A_521 : i32
      %add3A_523 = arith.constant 16 : i32
      %add3A_524 = arith.addi %mul3A_522, %add3A_523 : i32
      %get3A_525 = arith.index_cast %add3A_524 : i32 to index
      %get3A_526 = tpu.vector_load %arg11[%get3A_525] {strides = array<i32>} : memref<6272xi32, #tpu.memory_space<vmem>>, vector<16xi32>,
      %gather3A_527 = tpu.vector_load_idx %arg10[%get3A_526] : memref<119xf32, #tpu.memory_space<vmem>>[vector<16xi32>], vector<16xf32>,
      %swap3A_528 = arith.index_cast %add3A_524 : i32 to index
      %swap3A_529 = tpu.vector_load %arg13[%swap3A_528] {strides = array<i32>} : memref<6272xf32, #tpu.memory_space<vmem>>, vector<16xf32>,
      tpu.vector_store %arg13[%swap3A_528], %gather3A_527 {strides = array<i32>} : memref<6272xf32, #tpu.memory_space<vmem>>, vector<16xf32>,
      %mul3A_530 = arith.constant 128 : i32
      %mul3A_531 = arith.muli %while3A_511, %mul3A_530 : i32
      %add3A_532 = arith.constant 32 : i32
      %add3A_533 = arith.addi %mul3A_531, %add3A_532 : i32
      %get3A_534 = arith.index_cast %add3A_533 : i32 to index
      %get3A_535 = tpu.vector_load %arg11[%get3A_534] {strides = array<i32>} : memref<6272xi32, #tpu.memory_space<vmem>>, vector<16xi32>,
      %gather3A_536 = tpu.vector_load_idx %arg10[%get3A_535] : memref<119xf32, #tpu.memory_space<vmem>>[vector<16xi32>], vector<16xf32>,
      %swap3A_537 = arith.index_cast %add3A_533 : i32 to index
      %swap3A_538 = tpu.vector_load %arg13[%swap3A_537] {strides = array<i32>} : memref<6272xf32, #tpu.memory_space<vmem>>, vector<16xf32>,
      tpu.vector_store %arg13[%swap3A_537], %gather3A_536 {strides = array<i32>} : memref<6272xf32, #tpu.memory_space<vmem>>, vector<16xf32>,
      %mul3A_539 = arith.constant 128 : i32
      %mul3A_540 = arith.muli %while3A_511, %mul3A_539 : i32
      %add3A_541 = arith.constant 48 : i32
      %add3A_542 = arith.addi %mul3A_540, %add3A_541 : i32
      %get3A_543 = arith.index_cast %add3A_542 : i32 to index
      %get3A_544 = tpu.vector_load %arg11[%get3A_543] {strides = array<i32>} : memref<6272xi32, #tpu.memory_space<vmem>>, vector<16xi32>,
      %gather3A_545 = tpu.vector_load_idx %arg10[%get3A_544] : memref<119xf32, #tpu.memory_space<vmem>>[vector<16xi32>], vector<16xf32>,
      %swap3A_546 = arith.index_cast %add3A_542 : i32 to index
      %swap3A_547 = tpu.vector_load %arg13[%swap3A_546] {strides = array<i32>} : memref<6272xf32, #tpu.memory_space<vmem>>, vector<16xf32>,
      tpu.vector_store %arg13[%swap3A_546], %gather3A_545 {strides = array<i32>} : memref<6272xf32, #tpu.memory_space<vmem>>, vector<16xf32>,
      %mul3A_548 = arith.constant 128 : i32
      %mul3A_549 = arith.muli %while3A_511, %mul3A_548 : i32
      %add3A_550 = arith.constant 64 : i32
      %add3A_551 = arith.addi %mul3A_549, %add3A_550 : i32
      %get3A_552 = arith.index_cast %add3A_551 : i32 to index
      %get3A_553 = tpu.vector_load %arg11[%get3A_552] {strides = array<i32>} : memref<6272xi32, #tpu.memory_space<vmem>>, vector<16xi32>,
      %gather3A_554 = tpu.vector_load_idx %arg10[%get3A_553] : memref<119xf32, #tpu.memory_space<vmem>>[vector<16xi32>], vector<16xf32>,
      %swap3A_555 = arith.index_cast %add3A_551 : i32 to index
      %swap3A_556 = tpu.vector_load %arg13[%swap3A_555] {strides = array<i32>} : memref<6272xf32, #tpu.memory_space<vmem>>, vector<16xf32>,
      tpu.vector_store %arg13[%swap3A_555], %gather3A_554 {strides = array<i32>} : memref<6272xf32, #tpu.memory_space<vmem>>, vector<16xf32>,
      %mul3A_557 = arith.constant 128 : i32
      %mul3A_558 = arith.muli %while3A_511, %mul3A_557 : i32
      %add3A_559 = arith.constant 80 : i32
      %add3A_560 = arith.addi %mul3A_558, %add3A_559 : i32
      %get3A_561 = arith.index_cast %add3A_560 : i32 to index
      %get3A_562 = tpu.vector_load %arg11[%get3A_561] {strides = array<i32>} : memref<6272xi32, #tpu.memory_space<vmem>>, vector<16xi32>,
      %gather3A_563 = tpu.vector_load_idx %arg10[%get3A_562] : memref<119xf32, #tpu.memory_space<vmem>>[vector<16xi32>], vector<16xf32>,
      %swap3A_564 = arith.index_cast %add3A_560 : i32 to index
      %swap3A_565 = tpu.vector_load %arg13[%swap3A_564] {strides = array<i32>} : memref<6272xf32, #tpu.memory_space<vmem>>, vector<16xf32>,
      tpu.vector_store %arg13[%swap3A_564], %gather3A_563 {strides = array<i32>} : memref<6272xf32, #tpu.memory_space<vmem>>, vector<16xf32>,
      %mul3A_566 = arith.constant 128 : i32
      %mul3A_567 = arith.muli %while3A_511, %mul3A_566 : i32
      %add3A_568 = arith.constant 96 : i32
      %add3A_569 = arith.addi %mul3A_567, %add3A_568 : i32
      %get3A_570 = arith.index_cast %add3A_569 : i32 to index
      %get3A_571 = tpu.vector_load %arg11[%get3A_570] {strides = array<i32>} : memref<6272xi32, #tpu.memory_space<vmem>>, vector<16xi32>,
      %gather3A_572 = tpu.vector_load_idx %arg10[%get3A_571] : memref<119xf32, #tpu.memory_space<vmem>>[vector<16xi32>], vector<16xf32>,
      %swap3A_573 = arith.index_cast %add3A_569 : i32 to index
      %swap3A_574 = tpu.vector_load %arg13[%swap3A_573] {strides = array<i32>} : memref<6272xf32, #tpu.memory_space<vmem>>, vector<16xf32>,
      tpu.vector_store %arg13[%swap3A_573], %gather3A_572 {strides = array<i32>} : memref<6272xf32, #tpu.memory_space<vmem>>, vector<16xf32>,
      %mul3A_575 = arith.constant 128 : i32
      %mul3A_576 = arith.muli %while3A_511, %mul3A_575 : i32
      %add3A_577 = arith.constant 112 : i32
      %add3A_578 = arith.addi %mul3A_576, %add3A_577 : i32
      %get3A_579 = arith.index_cast %add3A_578 : i32 to index
      %get3A_580 = tpu.vector_load %arg11[%get3A_579] {strides = array<i32>} : memref<6272xi32, #tpu.memory_space<vmem>>, vector<16xi32>,
      %gather3A_581 = tpu.vector_load_idx %arg10[%get3A_580] : memref<119xf32, #tpu.memory_space<vmem>>[vector<16xi32>], vector<16xf32>,
      %swap3A_582 = arith.index_cast %add3A_578 : i32 to index
      %swap3A_583 = tpu.vector_load %arg13[%swap3A_582] {strides = array<i32>} : memref<6272xf32, #tpu.memory_space<vmem>>, vector<16xf32>,
      tpu.vector_store %arg13[%swap3A_582], %gather3A_581 {strides = array<i32>} : memref<6272xf32, #tpu.memory_space<vmem>>, vector<16xf32>,
      %mul3A_584 = arith.constant 128 : i32
      %mul3A_585 = arith.muli %while3A_511, %mul3A_584 : i32
      %dma_start3A_586 = tpu.memref_slice %arg13[%mul3A_585] : memref<6272xf32, #tpu.memory_space<vmem>> -> memref<128xf32, #tpu.memory_space<vmem>>
      %dma_start3A_587 = arith.constant 0 : i32
      %dma_start3A_588 = tpu.memref_slice %arg12[%while3A_511, %dma_start3A_587] : memref<49x128xi32, #tpu.memory_space<vmem>> -> memref<1x128xi32, #tpu.memory_space<vmem>>
      %dma_start3A_589 = tpu.memref_squeeze %dma_start3A_588 : memref<1x128xi32, #tpu.memory_space<vmem>> -> memref<128xi32, #tpu.memory_space<vmem>>
      %dma_start3A_590 = arith.constant 0 : i32
      %dma_start3A_591 = tpu.memref_slice %arg15[%dma_start3A_590] : memref<4352xf32, #tpu.memory_space<vmem_shared>> -> memref<4352xf32, #tpu.memory_space<vmem_shared>>
      tpu.enqueue_indirect_dma source(%dma_start3A_586 : memref<128xf32, #tpu.memory_space<vmem>>) target(%dma_start3A_591 : memref<4352xf32, #tpu.memory_space<vmem_shared>>) offsets(%dma_start3A_589 : memref<128xi32, #tpu.memory_space<vmem>>) semaphore(%arg22 : memref<!tpu.dma_semaphore, #tpu.memory_space<semaphore_mem>>) {add = true}
      %ge3A = arith.constant 16 : i32
      %ge3A_592 = arith.cmpi sge, %while3A_511, %ge3A : i32
      %convert_element_type3A_593 = arith.extui %ge3A_592 : i1 to i32
      %cond3A_594 = arith.constant 0 : i32
      %cond3A_595 = arith.cmpi ne, %convert_element_type3A_593, %cond3A_594 : i32
      scf.if %cond3A_595 {
        %dma_wait3A_596 = arith.constant 0 : i32
        %dma_wait3A_597 = tpu.memref_slice %arg13[%dma_wait3A_596] : memref<6272xf32, #tpu.memory_space<vmem>> -> memref<128xf32, #tpu.memory_space<vmem>>
        %dma_wait3A_598 = arith.constant 0 : i32
        %dma_wait3A_599 = tpu.memref_slice %arg2[%dma_wait3A_598] : memref<4096xf32, #tpu.memory_space<hbm>> -> memref<128xf32, #tpu.memory_space<hbm>>
        %dma_wait3A_600 = arith.constant 0 : i32
        %dma_wait3A_601 = tpu.memref_slice %arg13[%dma_wait3A_600] : memref<6272xf32, #tpu.memory_space<vmem>> -> memref<128xf32, #tpu.memory_space<vmem>>
        %dma_wait3A_602 = arith.constant 0 : i32
        %dma_wait3A_603 = tpu.memref_slice %arg2[%dma_wait3A_602] : memref<4096xf32, #tpu.memory_space<hbm>> -> memref<128xf32, #tpu.memory_space<hbm>>
        tpu.wait_dma2 semaphore(%arg22 : memref<!tpu.dma_semaphore, #tpu.memory_space<semaphore_mem>>) src(%dma_wait3A_603 : memref<128xf32, #tpu.memory_space<hbm>>) dst(%dma_wait3A_601 : memref<128xf32, #tpu.memory_space<vmem>>)
      } else {
      }
    }
    "tpu.region"() ({
      %run_scoped3A = tpu.sem_alloc : memref<!tpu.dma_semaphore, #tpu.memory_space<semaphore_mem>>
      tpu.enqueue_dma source(%arg6 : memref<1xf32, #tpu.memory_space<hbm>>) target(%arg20 : memref<1xf32, #tpu.memory_space<vmem>>) target_semaphore(%run_scoped3A : memref<!tpu.dma_semaphore, #tpu.memory_space<semaphore_mem>>)
      tpu.wait_dma2 semaphore(%run_scoped3A : memref<!tpu.dma_semaphore, #tpu.memory_space<semaphore_mem>>) src(%arg6 : memref<1xf32, #tpu.memory_space<hbm>>) dst(%arg20 : memref<1xf32, #tpu.memory_space<vmem>>)
      tpu.yield
    }) : () -> ()
    "tpu.region"() ({
      %run_scoped3A = tpu.sem_alloc : memref<!tpu.dma_semaphore, #tpu.memory_space<semaphore_mem>>
      tpu.enqueue_dma source(%arg7 : memref<1xf32, #tpu.memory_space<hbm>>) target(%arg21 : memref<1xf32, #tpu.memory_space<vmem>>) target_semaphore(%run_scoped3A : memref<!tpu.dma_semaphore, #tpu.memory_space<semaphore_mem>>)
      tpu.wait_dma2 semaphore(%run_scoped3A : memref<!tpu.dma_semaphore, #tpu.memory_space<semaphore_mem>>) src(%arg7 : memref<1xf32, #tpu.memory_space<hbm>>) dst(%arg21 : memref<1xf32, #tpu.memory_space<vmem>>)
      tpu.yield
    }) : () -> ()
    %dma_wait3A = arith.constant 0 : i32
    %dma_wait3A_102 = tpu.memref_slice %arg2[%dma_wait3A] : memref<4096xf32, #tpu.memory_space<hbm>> -> memref<256xf32, #tpu.memory_space<hbm>>
    %dma_wait3A_103 = arith.constant 0 : i32
    %dma_wait3A_104 = tpu.memref_slice %arg2[%dma_wait3A_103] : memref<4096xf32, #tpu.memory_space<hbm>> -> memref<256xf32, #tpu.memory_space<hbm>>
    tpu.wait_dma2 semaphore(%arg24 : memref<!tpu.dma_semaphore, #tpu.memory_space<semaphore_mem>>) src(%dma_wait3A_104 : memref<256xf32, #tpu.memory_space<hbm>>) dst(%arg16 : memref<256xf32, #tpu.memory_space<vmem>>)
    %dma_wait3A_105 = arith.constant 0 : i32
    %dma_wait3A_106 = tpu.memref_slice %arg3[%dma_wait3A_105] : memref<4096xi32, #tpu.memory_space<hbm>> -> memref<256xi32, #tpu.memory_space<hbm>>
    %dma_wait3A_107 = arith.constant 0 : i32
    %dma_wait3A_108 = tpu.memref_slice %arg3[%dma_wait3A_107] : memref<4096xi32, #tpu.memory_space<hbm>> -> memref<256xi32, #tpu.memory_space<hbm>>
    tpu.wait_dma2 semaphore(%arg24 : memref<!tpu.dma_semaphore, #tpu.memory_space<semaphore_mem>>) src(%dma_wait3A_108 : memref<256xi32, #tpu.memory_space<hbm>>) dst(%arg17 : memref<256xi32, #tpu.memory_space<vmem>>)
    %broadcast_in_dim3A_109 = arith.constant 0 : i32
    %broadcast_in_dim3A_110 = vector.broadcast %broadcast_in_dim3A_109 : i32 to vector<16xi32>
    %gather3A = tpu.vector_load_idx %arg20[%broadcast_in_dim3A_110] : memref<1xf32, #tpu.memory_space<vmem>>[vector<16xi32>], vector<16xf32>,
    %gather3A_111 = tpu.vector_load_idx %arg21[%broadcast_in_dim3A_110] : memref<1xf32, #tpu.memory_space<vmem>>[vector<16xi32>], vector<16xf32>,
    %get3A = arith.constant 0 : index
    %get3A_112 = tpu.vector_load %arg16[%get3A] {strides = array<i32>} : memref<256xf32, #tpu.memory_space<vmem>>, vector<16xf32>,
    %mul3A_113 = arith.mulf %get3A_112, %gather3A : vector<16xf32>
    %get3A_114 = arith.constant 0 : index
    %get3A_115 = tpu.vector_load %arg17[%get3A_114] {strides = array<i32>} : memref<256xi32, #tpu.memory_space<vmem>>, vector<16xi32>,
    %convert_element_type3A_116 = arith.sitofp %get3A_115 : vector<16xi32> to vector<16xf32>
    %mul3A_117 = arith.mulf %convert_element_type3A_116, %gather3A_111 : vector<16xf32>
    %add3A = arith.addf %mul3A_113, %mul3A_117 : vector<16xf32>
    %swap3A_118 = arith.constant 0 : index
    %swap3A_119 = tpu.vector_load %arg19[%swap3A_118] {strides = array<i32>} : memref<256xf32, #tpu.memory_space<vmem>>, vector<16xf32>,
    tpu.vector_store %arg19[%swap3A_118], %add3A {strides = array<i32>} : memref<256xf32, #tpu.memory_space<vmem>>, vector<16xf32>,
    %get3A_120 = arith.constant 16 : index
    %get3A_121 = tpu.vector_load %arg16[%get3A_120] {strides = array<i32>} : memref<256xf32, #tpu.memory_space<vmem>>, vector<16xf32>,
    %mul3A_122 = arith.mulf %get3A_121, %gather3A : vector<16xf32>
    %get3A_123 = arith.constant 16 : index
    %get3A_124 = tpu.vector_load %arg17[%get3A_123] {strides = array<i32>} : memref<256xi32, #tpu.memory_space<vmem>>, vector<16xi32>,
    %convert_element_type3A_125 = arith.sitofp %get3A_124 : vector<16xi32> to vector<16xf32>
    %mul3A_126 = arith.mulf %convert_element_type3A_125, %gather3A_111 : vector<16xf32>
    %add3A_127 = arith.addf %mul3A_122, %mul3A_126 : vector<16xf32>
    %swap3A_128 = arith.constant 16 : index
    %swap3A_129 = tpu.vector_load %arg19[%swap3A_128] {strides = array<i32>} : memref<256xf32, #tpu.memory_space<vmem>>, vector<16xf32>,
    tpu.vector_store %arg19[%swap3A_128], %add3A_127 {strides = array<i32>} : memref<256xf32, #tpu.memory_space<vmem>>, vector<16xf32>,
    %get3A_130 = arith.constant 32 : index
    %get3A_131 = tpu.vector_load %arg16[%get3A_130] {strides = array<i32>} : memref<256xf32, #tpu.memory_space<vmem>>, vector<16xf32>,
    %mul3A_132 = arith.mulf %get3A_131, %gather3A : vector<16xf32>
    %get3A_133 = arith.constant 32 : index
    %get3A_134 = tpu.vector_load %arg17[%get3A_133] {strides = array<i32>} : memref<256xi32, #tpu.memory_space<vmem>>, vector<16xi32>,
    %convert_element_type3A_135 = arith.sitofp %get3A_134 : vector<16xi32> to vector<16xf32>
    %mul3A_136 = arith.mulf %convert_element_type3A_135, %gather3A_111 : vector<16xf32>
    %add3A_137 = arith.addf %mul3A_132, %mul3A_136 : vector<16xf32>
    %swap3A_138 = arith.constant 32 : index
    %swap3A_139 = tpu.vector_load %arg19[%swap3A_138] {strides = array<i32>} : memref<256xf32, #tpu.memory_space<vmem>>, vector<16xf32>,
    tpu.vector_store %arg19[%swap3A_138], %add3A_137 {strides = array<i32>} : memref<256xf32, #tpu.memory_space<vmem>>, vector<16xf32>,
    %get3A_140 = arith.constant 48 : index
    %get3A_141 = tpu.vector_load %arg16[%get3A_140] {strides = array<i32>} : memref<256xf32, #tpu.memory_space<vmem>>, vector<16xf32>,
    %mul3A_142 = arith.mulf %get3A_141, %gather3A : vector<16xf32>
    %get3A_143 = arith.constant 48 : index
    %get3A_144 = tpu.vector_load %arg17[%get3A_143] {strides = array<i32>} : memref<256xi32, #tpu.memory_space<vmem>>, vector<16xi32>,
    %convert_element_type3A_145 = arith.sitofp %get3A_144 : vector<16xi32> to vector<16xf32>
    %mul3A_146 = arith.mulf %convert_element_type3A_145, %gather3A_111 : vector<16xf32>
    %add3A_147 = arith.addf %mul3A_142, %mul3A_146 : vector<16xf32>
    %swap3A_148 = arith.constant 48 : index
    %swap3A_149 = tpu.vector_load %arg19[%swap3A_148] {strides = array<i32>} : memref<256xf32, #tpu.memory_space<vmem>>, vector<16xf32>,
    tpu.vector_store %arg19[%swap3A_148], %add3A_147 {strides = array<i32>} : memref<256xf32, #tpu.memory_space<vmem>>, vector<16xf32>,
    %get3A_150 = arith.constant 64 : index
    %get3A_151 = tpu.vector_load %arg16[%get3A_150] {strides = array<i32>} : memref<256xf32, #tpu.memory_space<vmem>>, vector<16xf32>,
    %mul3A_152 = arith.mulf %get3A_151, %gather3A : vector<16xf32>
    %get3A_153 = arith.constant 64 : index
    %get3A_154 = tpu.vector_load %arg17[%get3A_153] {strides = array<i32>} : memref<256xi32, #tpu.memory_space<vmem>>, vector<16xi32>,
    %convert_element_type3A_155 = arith.sitofp %get3A_154 : vector<16xi32> to vector<16xf32>
    %mul3A_156 = arith.mulf %convert_element_type3A_155, %gather3A_111 : vector<16xf32>
    %add3A_157 = arith.addf %mul3A_152, %mul3A_156 : vector<16xf32>
    %swap3A_158 = arith.constant 64 : index
    %swap3A_159 = tpu.vector_load %arg19[%swap3A_158] {strides = array<i32>} : memref<256xf32, #tpu.memory_space<vmem>>, vector<16xf32>,
    tpu.vector_store %arg19[%swap3A_158], %add3A_157 {strides = array<i32>} : memref<256xf32, #tpu.memory_space<vmem>>, vector<16xf32>,
    %get3A_160 = arith.constant 80 : index
    %get3A_161 = tpu.vector_load %arg16[%get3A_160] {strides = array<i32>} : memref<256xf32, #tpu.memory_space<vmem>>, vector<16xf32>,
    %mul3A_162 = arith.mulf %get3A_161, %gather3A : vector<16xf32>
    %get3A_163 = arith.constant 80 : index
    %get3A_164 = tpu.vector_load %arg17[%get3A_163] {strides = array<i32>} : memref<256xi32, #tpu.memory_space<vmem>>, vector<16xi32>,
    %convert_element_type3A_165 = arith.sitofp %get3A_164 : vector<16xi32> to vector<16xf32>
    %mul3A_166 = arith.mulf %convert_element_type3A_165, %gather3A_111 : vector<16xf32>
    %add3A_167 = arith.addf %mul3A_162, %mul3A_166 : vector<16xf32>
    %swap3A_168 = arith.constant 80 : index
    %swap3A_169 = tpu.vector_load %arg19[%swap3A_168] {strides = array<i32>} : memref<256xf32, #tpu.memory_space<vmem>>, vector<16xf32>,
    tpu.vector_store %arg19[%swap3A_168], %add3A_167 {strides = array<i32>} : memref<256xf32, #tpu.memory_space<vmem>>, vector<16xf32>,
    %get3A_170 = arith.constant 96 : index
    %get3A_171 = tpu.vector_load %arg16[%get3A_170] {strides = array<i32>} : memref<256xf32, #tpu.memory_space<vmem>>, vector<16xf32>,
    %mul3A_172 = arith.mulf %get3A_171, %gather3A : vector<16xf32>
    %get3A_173 = arith.constant 96 : index
    %get3A_174 = tpu.vector_load %arg17[%get3A_173] {strides = array<i32>} : memref<256xi32, #tpu.memory_space<vmem>>, vector<16xi32>,
    %convert_element_type3A_175 = arith.sitofp %get3A_174 : vector<16xi32> to vector<16xf32>
    %mul3A_176 = arith.mulf %convert_element_type3A_175, %gather3A_111 : vector<16xf32>
    %add3A_177 = arith.addf %mul3A_172, %mul3A_176 : vector<16xf32>
    %swap3A_178 = arith.constant 96 : index
    %swap3A_179 = tpu.vector_load %arg19[%swap3A_178] {strides = array<i32>} : memref<256xf32, #tpu.memory_space<vmem>>, vector<16xf32>,
    tpu.vector_store %arg19[%swap3A_178], %add3A_177 {strides = array<i32>} : memref<256xf32, #tpu.memory_space<vmem>>, vector<16xf32>,
    %get3A_180 = arith.constant 112 : index
    %get3A_181 = tpu.vector_load %arg16[%get3A_180] {strides = array<i32>} : memref<256xf32, #tpu.memory_space<vmem>>, vector<16xf32>,
    %mul3A_182 = arith.mulf %get3A_181, %gather3A : vector<16xf32>
    %get3A_183 = arith.constant 112 : index
    %get3A_184 = tpu.vector_load %arg17[%get3A_183] {strides = array<i32>} : memref<256xi32, #tpu.memory_space<vmem>>, vector<16xi32>,
    %convert_element_type3A_185 = arith.sitofp %get3A_184 : vector<16xi32> to vector<16xf32>
    %mul3A_186 = arith.mulf %convert_element_type3A_185, %gather3A_111 : vector<16xf32>
    %add3A_187 = arith.addf %mul3A_182, %mul3A_186 : vector<16xf32>
    %swap3A_188 = arith.constant 112 : index
    %swap3A_189 = tpu.vector_load %arg19[%swap3A_188] {strides = array<i32>} : memref<256xf32, #tpu.memory_space<vmem>>, vector<16xf32>,
    tpu.vector_store %arg19[%swap3A_188], %add3A_187 {strides = array<i32>} : memref<256xf32, #tpu.memory_space<vmem>>, vector<16xf32>,
    %get3A_190 = arith.constant 128 : index
    %get3A_191 = tpu.vector_load %arg16[%get3A_190] {strides = array<i32>} : memref<256xf32, #tpu.memory_space<vmem>>, vector<16xf32>,
    %mul3A_192 = arith.mulf %get3A_191, %gather3A : vector<16xf32>
    %get3A_193 = arith.constant 128 : index
    %get3A_194 = tpu.vector_load %arg17[%get3A_193] {strides = array<i32>} : memref<256xi32, #tpu.memory_space<vmem>>, vector<16xi32>,
    %convert_element_type3A_195 = arith.sitofp %get3A_194 : vector<16xi32> to vector<16xf32>
    %mul3A_196 = arith.mulf %convert_element_type3A_195, %gather3A_111 : vector<16xf32>
    %add3A_197 = arith.addf %mul3A_192, %mul3A_196 : vector<16xf32>
    %swap3A_198 = arith.constant 128 : index
    %swap3A_199 = tpu.vector_load %arg19[%swap3A_198] {strides = array<i32>} : memref<256xf32, #tpu.memory_space<vmem>>, vector<16xf32>,
    tpu.vector_store %arg19[%swap3A_198], %add3A_197 {strides = array<i32>} : memref<256xf32, #tpu.memory_space<vmem>>, vector<16xf32>,
    %get3A_200 = arith.constant 144 : index
    %get3A_201 = tpu.vector_load %arg16[%get3A_200] {strides = array<i32>} : memref<256xf32, #tpu.memory_space<vmem>>, vector<16xf32>,
    %mul3A_202 = arith.mulf %get3A_201, %gather3A : vector<16xf32>
    %get3A_203 = arith.constant 144 : index
    %get3A_204 = tpu.vector_load %arg17[%get3A_203] {strides = array<i32>} : memref<256xi32, #tpu.memory_space<vmem>>, vector<16xi32>,
    %convert_element_type3A_205 = arith.sitofp %get3A_204 : vector<16xi32> to vector<16xf32>
    %mul3A_206 = arith.mulf %convert_element_type3A_205, %gather3A_111 : vector<16xf32>
    %add3A_207 = arith.addf %mul3A_202, %mul3A_206 : vector<16xf32>
    %swap3A_208 = arith.constant 144 : index
    %swap3A_209 = tpu.vector_load %arg19[%swap3A_208] {strides = array<i32>} : memref<256xf32, #tpu.memory_space<vmem>>, vector<16xf32>,
    tpu.vector_store %arg19[%swap3A_208], %add3A_207 {strides = array<i32>} : memref<256xf32, #tpu.memory_space<vmem>>, vector<16xf32>,
    %get3A_210 = arith.constant 160 : index
    %get3A_211 = tpu.vector_load %arg16[%get3A_210] {strides = array<i32>} : memref<256xf32, #tpu.memory_space<vmem>>, vector<16xf32>,
    %mul3A_212 = arith.mulf %get3A_211, %gather3A : vector<16xf32>
    %get3A_213 = arith.constant 160 : index
    %get3A_214 = tpu.vector_load %arg17[%get3A_213] {strides = array<i32>} : memref<256xi32, #tpu.memory_space<vmem>>, vector<16xi32>,
    %convert_element_type3A_215 = arith.sitofp %get3A_214 : vector<16xi32> to vector<16xf32>
    %mul3A_216 = arith.mulf %convert_element_type3A_215, %gather3A_111 : vector<16xf32>
    %add3A_217 = arith.addf %mul3A_212, %mul3A_216 : vector<16xf32>
    %swap3A_218 = arith.constant 160 : index
    %swap3A_219 = tpu.vector_load %arg19[%swap3A_218] {strides = array<i32>} : memref<256xf32, #tpu.memory_space<vmem>>, vector<16xf32>,
    tpu.vector_store %arg19[%swap3A_218], %add3A_217 {strides = array<i32>} : memref<256xf32, #tpu.memory_space<vmem>>, vector<16xf32>,
    %get3A_220 = arith.constant 176 : index
    %get3A_221 = tpu.vector_load %arg16[%get3A_220] {strides = array<i32>} : memref<256xf32, #tpu.memory_space<vmem>>, vector<16xf32>,
    %mul3A_222 = arith.mulf %get3A_221, %gather3A : vector<16xf32>
    %get3A_223 = arith.constant 176 : index
    %get3A_224 = tpu.vector_load %arg17[%get3A_223] {strides = array<i32>} : memref<256xi32, #tpu.memory_space<vmem>>, vector<16xi32>,
    %convert_element_type3A_225 = arith.sitofp %get3A_224 : vector<16xi32> to vector<16xf32>
    %mul3A_226 = arith.mulf %convert_element_type3A_225, %gather3A_111 : vector<16xf32>
    %add3A_227 = arith.addf %mul3A_222, %mul3A_226 : vector<16xf32>
    %swap3A_228 = arith.constant 176 : index
    %swap3A_229 = tpu.vector_load %arg19[%swap3A_228] {strides = array<i32>} : memref<256xf32, #tpu.memory_space<vmem>>, vector<16xf32>,
    tpu.vector_store %arg19[%swap3A_228], %add3A_227 {strides = array<i32>} : memref<256xf32, #tpu.memory_space<vmem>>, vector<16xf32>,
    %get3A_230 = arith.constant 192 : index
    %get3A_231 = tpu.vector_load %arg16[%get3A_230] {strides = array<i32>} : memref<256xf32, #tpu.memory_space<vmem>>, vector<16xf32>,
    %mul3A_232 = arith.mulf %get3A_231, %gather3A : vector<16xf32>
    %get3A_233 = arith.constant 192 : index
    %get3A_234 = tpu.vector_load %arg17[%get3A_233] {strides = array<i32>} : memref<256xi32, #tpu.memory_space<vmem>>, vector<16xi32>,
    %convert_element_type3A_235 = arith.sitofp %get3A_234 : vector<16xi32> to vector<16xf32>
    %mul3A_236 = arith.mulf %convert_element_type3A_235, %gather3A_111 : vector<16xf32>
    %add3A_237 = arith.addf %mul3A_232, %mul3A_236 : vector<16xf32>
    %swap3A_238 = arith.constant 192 : index
    %swap3A_239 = tpu.vector_load %arg19[%swap3A_238] {strides = array<i32>} : memref<256xf32, #tpu.memory_space<vmem>>, vector<16xf32>,
    tpu.vector_store %arg19[%swap3A_238], %add3A_237 {strides = array<i32>} : memref<256xf32, #tpu.memory_space<vmem>>, vector<16xf32>,
    %get3A_240 = arith.constant 208 : index
    %get3A_241 = tpu.vector_load %arg16[%get3A_240] {strides = array<i32>} : memref<256xf32, #tpu.memory_space<vmem>>, vector<16xf32>,
    %mul3A_242 = arith.mulf %get3A_241, %gather3A : vector<16xf32>
    %get3A_243 = arith.constant 208 : index
    %get3A_244 = tpu.vector_load %arg17[%get3A_243] {strides = array<i32>} : memref<256xi32, #tpu.memory_space<vmem>>, vector<16xi32>,
    %convert_element_type3A_245 = arith.sitofp %get3A_244 : vector<16xi32> to vector<16xf32>
    %mul3A_246 = arith.mulf %convert_element_type3A_245, %gather3A_111 : vector<16xf32>
    %add3A_247 = arith.addf %mul3A_242, %mul3A_246 : vector<16xf32>
    %swap3A_248 = arith.constant 208 : index
    %swap3A_249 = tpu.vector_load %arg19[%swap3A_248] {strides = array<i32>} : memref<256xf32, #tpu.memory_space<vmem>>, vector<16xf32>,
    tpu.vector_store %arg19[%swap3A_248], %add3A_247 {strides = array<i32>} : memref<256xf32, #tpu.memory_space<vmem>>, vector<16xf32>,
    %get3A_250 = arith.constant 224 : index
    %get3A_251 = tpu.vector_load %arg16[%get3A_250] {strides = array<i32>} : memref<256xf32, #tpu.memory_space<vmem>>, vector<16xf32>,
    %mul3A_252 = arith.mulf %get3A_251, %gather3A : vector<16xf32>
    %get3A_253 = arith.constant 224 : index
    %get3A_254 = tpu.vector_load %arg17[%get3A_253] {strides = array<i32>} : memref<256xi32, #tpu.memory_space<vmem>>, vector<16xi32>,
    %convert_element_type3A_255 = arith.sitofp %get3A_254 : vector<16xi32> to vector<16xf32>
    %mul3A_256 = arith.mulf %convert_element_type3A_255, %gather3A_111 : vector<16xf32>
    %add3A_257 = arith.addf %mul3A_252, %mul3A_256 : vector<16xf32>
    %swap3A_258 = arith.constant 224 : index
    %swap3A_259 = tpu.vector_load %arg19[%swap3A_258] {strides = array<i32>} : memref<256xf32, #tpu.memory_space<vmem>>, vector<16xf32>,
    tpu.vector_store %arg19[%swap3A_258], %add3A_257 {strides = array<i32>} : memref<256xf32, #tpu.memory_space<vmem>>, vector<16xf32>,
    %get3A_260 = arith.constant 240 : index
    %get3A_261 = tpu.vector_load %arg16[%get3A_260] {strides = array<i32>} : memref<256xf32, #tpu.memory_space<vmem>>, vector<16xf32>,
    %mul3A_262 = arith.mulf %get3A_261, %gather3A : vector<16xf32>
    %get3A_263 = arith.constant 240 : index
    %get3A_264 = tpu.vector_load %arg17[%get3A_263] {strides = array<i32>} : memref<256xi32, #tpu.memory_space<vmem>>, vector<16xi32>,
    %convert_element_type3A_265 = arith.sitofp %get3A_264 : vector<16xi32> to vector<16xf32>
    %mul3A_266 = arith.mulf %convert_element_type3A_265, %gather3A_111 : vector<16xf32>
    %add3A_267 = arith.addf %mul3A_262, %mul3A_266 : vector<16xf32>
    %swap3A_268 = arith.constant 240 : index
    %swap3A_269 = tpu.vector_load %arg19[%swap3A_268] {strides = array<i32>} : memref<256xf32, #tpu.memory_space<vmem>>, vector<16xf32>,
    tpu.vector_store %arg19[%swap3A_268], %add3A_267 {strides = array<i32>} : memref<256xf32, #tpu.memory_space<vmem>>, vector<16xf32>,
    %dma_wait3A_270 = arith.constant 0 : i32
    %dma_wait3A_271 = tpu.memref_slice %arg13[%dma_wait3A_270] : memref<6272xf32, #tpu.memory_space<vmem>> -> memref<128xf32, #tpu.memory_space<vmem>>
    %dma_wait3A_272 = arith.constant 0 : i32
    %dma_wait3A_273 = tpu.memref_slice %arg2[%dma_wait3A_272] : memref<4096xf32, #tpu.memory_space<hbm>> -> memref<128xf32, #tpu.memory_space<hbm>>
    %dma_wait3A_274 = arith.constant 0 : i32
    %dma_wait3A_275 = tpu.memref_slice %arg13[%dma_wait3A_274] : memref<6272xf32, #tpu.memory_space<vmem>> -> memref<128xf32, #tpu.memory_space<vmem>>
    %dma_wait3A_276 = arith.constant 0 : i32
    %dma_wait3A_277 = tpu.memref_slice %arg2[%dma_wait3A_276] : memref<4096xf32, #tpu.memory_space<hbm>> -> memref<128xf32, #tpu.memory_space<hbm>>
    tpu.wait_dma2 semaphore(%arg22 : memref<!tpu.dma_semaphore, #tpu.memory_space<semaphore_mem>>) src(%dma_wait3A_277 : memref<128xf32, #tpu.memory_space<hbm>>) dst(%dma_wait3A_275 : memref<128xf32, #tpu.memory_space<vmem>>)
    %dma_wait3A_278 = arith.constant 0 : i32
    %dma_wait3A_279 = tpu.memref_slice %arg13[%dma_wait3A_278] : memref<6272xf32, #tpu.memory_space<vmem>> -> memref<128xf32, #tpu.memory_space<vmem>>
    %dma_wait3A_280 = arith.constant 0 : i32
    %dma_wait3A_281 = tpu.memref_slice %arg2[%dma_wait3A_280] : memref<4096xf32, #tpu.memory_space<hbm>> -> memref<128xf32, #tpu.memory_space<hbm>>
    %dma_wait3A_282 = arith.constant 0 : i32
    %dma_wait3A_283 = tpu.memref_slice %arg13[%dma_wait3A_282] : memref<6272xf32, #tpu.memory_space<vmem>> -> memref<128xf32, #tpu.memory_space<vmem>>
    %dma_wait3A_284 = arith.constant 0 : i32
    %dma_wait3A_285 = tpu.memref_slice %arg2[%dma_wait3A_284] : memref<4096xf32, #tpu.memory_space<hbm>> -> memref<128xf32, #tpu.memory_space<hbm>>
    tpu.wait_dma2 semaphore(%arg22 : memref<!tpu.dma_semaphore, #tpu.memory_space<semaphore_mem>>) src(%dma_wait3A_285 : memref<128xf32, #tpu.memory_space<hbm>>) dst(%dma_wait3A_283 : memref<128xf32, #tpu.memory_space<vmem>>)
    %dma_wait3A_286 = arith.constant 0 : i32
    %dma_wait3A_287 = tpu.memref_slice %arg13[%dma_wait3A_286] : memref<6272xf32, #tpu.memory_space<vmem>> -> memref<128xf32, #tpu.memory_space<vmem>>
    %dma_wait3A_288 = arith.constant 0 : i32
    %dma_wait3A_289 = tpu.memref_slice %arg2[%dma_wait3A_288] : memref<4096xf32, #tpu.memory_space<hbm>> -> memref<128xf32, #tpu.memory_space<hbm>>
    %dma_wait3A_290 = arith.constant 0 : i32
    %dma_wait3A_291 = tpu.memref_slice %arg13[%dma_wait3A_290] : memref<6272xf32, #tpu.memory_space<vmem>> -> memref<128xf32, #tpu.memory_space<vmem>>
    %dma_wait3A_292 = arith.constant 0 : i32
    %dma_wait3A_293 = tpu.memref_slice %arg2[%dma_wait3A_292] : memref<4096xf32, #tpu.memory_space<hbm>> -> memref<128xf32, #tpu.memory_space<hbm>>
    tpu.wait_dma2 semaphore(%arg22 : memref<!tpu.dma_semaphore, #tpu.memory_space<semaphore_mem>>) src(%dma_wait3A_293 : memref<128xf32, #tpu.memory_space<hbm>>) dst(%dma_wait3A_291 : memref<128xf32, #tpu.memory_space<vmem>>)
    %dma_wait3A_294 = arith.constant 0 : i32
    %dma_wait3A_295 = tpu.memref_slice %arg13[%dma_wait3A_294] : memref<6272xf32, #tpu.memory_space<vmem>> -> memref<128xf32, #tpu.memory_space<vmem>>
    %dma_wait3A_296 = arith.constant 0 : i32
    %dma_wait3A_297 = tpu.memref_slice %arg2[%dma_wait3A_296] : memref<4096xf32, #tpu.memory_space<hbm>> -> memref<128xf32, #tpu.memory_space<hbm>>
    %dma_wait3A_298 = arith.constant 0 : i32
    %dma_wait3A_299 = tpu.memref_slice %arg13[%dma_wait3A_298] : memref<6272xf32, #tpu.memory_space<vmem>> -> memref<128xf32, #tpu.memory_space<vmem>>
    %dma_wait3A_300 = arith.constant 0 : i32
    %dma_wait3A_301 = tpu.memref_slice %arg2[%dma_wait3A_300] : memref<4096xf32, #tpu.memory_space<hbm>> -> memref<128xf32, #tpu.memory_space<hbm>>
    tpu.wait_dma2 semaphore(%arg22 : memref<!tpu.dma_semaphore, #tpu.memory_space<semaphore_mem>>) src(%dma_wait3A_301 : memref<128xf32, #tpu.memory_space<hbm>>) dst(%dma_wait3A_299 : memref<128xf32, #tpu.memory_space<vmem>>)
    %dma_wait3A_302 = arith.constant 0 : i32
    %dma_wait3A_303 = tpu.memref_slice %arg13[%dma_wait3A_302] : memref<6272xf32, #tpu.memory_space<vmem>> -> memref<128xf32, #tpu.memory_space<vmem>>
    %dma_wait3A_304 = arith.constant 0 : i32
    %dma_wait3A_305 = tpu.memref_slice %arg2[%dma_wait3A_304] : memref<4096xf32, #tpu.memory_space<hbm>> -> memref<128xf32, #tpu.memory_space<hbm>>
    %dma_wait3A_306 = arith.constant 0 : i32
    %dma_wait3A_307 = tpu.memref_slice %arg13[%dma_wait3A_306] : memref<6272xf32, #tpu.memory_space<vmem>> -> memref<128xf32, #tpu.memory_space<vmem>>
    %dma_wait3A_308 = arith.constant 0 : i32
    %dma_wait3A_309 = tpu.memref_slice %arg2[%dma_wait3A_308] : memref<4096xf32, #tpu.memory_space<hbm>> -> memref<128xf32, #tpu.memory_space<hbm>>
    tpu.wait_dma2 semaphore(%arg22 : memref<!tpu.dma_semaphore, #tpu.memory_space<semaphore_mem>>) src(%dma_wait3A_309 : memref<128xf32, #tpu.memory_space<hbm>>) dst(%dma_wait3A_307 : memref<128xf32, #tpu.memory_space<vmem>>)
    %dma_wait3A_310 = arith.constant 0 : i32
    %dma_wait3A_311 = tpu.memref_slice %arg13[%dma_wait3A_310] : memref<6272xf32, #tpu.memory_space<vmem>> -> memref<128xf32, #tpu.memory_space<vmem>>
    %dma_wait3A_312 = arith.constant 0 : i32
    %dma_wait3A_313 = tpu.memref_slice %arg2[%dma_wait3A_312] : memref<4096xf32, #tpu.memory_space<hbm>> -> memref<128xf32, #tpu.memory_space<hbm>>
    %dma_wait3A_314 = arith.constant 0 : i32
    %dma_wait3A_315 = tpu.memref_slice %arg13[%dma_wait3A_314] : memref<6272xf32, #tpu.memory_space<vmem>> -> memref<128xf32, #tpu.memory_space<vmem>>
    %dma_wait3A_316 = arith.constant 0 : i32
    %dma_wait3A_317 = tpu.memref_slice %arg2[%dma_wait3A_316] : memref<4096xf32, #tpu.memory_space<hbm>> -> memref<128xf32, #tpu.memory_space<hbm>>
    tpu.wait_dma2 semaphore(%arg22 : memref<!tpu.dma_semaphore, #tpu.memory_space<semaphore_mem>>) src(%dma_wait3A_317 : memref<128xf32, #tpu.memory_space<hbm>>) dst(%dma_wait3A_315 : memref<128xf32, #tpu.memory_space<vmem>>)
    %dma_wait3A_318 = arith.constant 0 : i32
    %dma_wait3A_319 = tpu.memref_slice %arg13[%dma_wait3A_318] : memref<6272xf32, #tpu.memory_space<vmem>> -> memref<128xf32, #tpu.memory_space<vmem>>
    %dma_wait3A_320 = arith.constant 0 : i32
    %dma_wait3A_321 = tpu.memref_slice %arg2[%dma_wait3A_320] : memref<4096xf32, #tpu.memory_space<hbm>> -> memref<128xf32, #tpu.memory_space<hbm>>
    %dma_wait3A_322 = arith.constant 0 : i32
    %dma_wait3A_323 = tpu.memref_slice %arg13[%dma_wait3A_322] : memref<6272xf32, #tpu.memory_space<vmem>> -> memref<128xf32, #tpu.memory_space<vmem>>
    %dma_wait3A_324 = arith.constant 0 : i32
    %dma_wait3A_325 = tpu.memref_slice %arg2[%dma_wait3A_324] : memref<4096xf32, #tpu.memory_space<hbm>> -> memref<128xf32, #tpu.memory_space<hbm>>
    tpu.wait_dma2 semaphore(%arg22 : memref<!tpu.dma_semaphore, #tpu.memory_space<semaphore_mem>>) src(%dma_wait3A_325 : memref<128xf32, #tpu.memory_space<hbm>>) dst(%dma_wait3A_323 : memref<128xf32, #tpu.memory_space<vmem>>)
    %dma_wait3A_326 = arith.constant 0 : i32
    %dma_wait3A_327 = tpu.memref_slice %arg13[%dma_wait3A_326] : memref<6272xf32, #tpu.memory_space<vmem>> -> memref<128xf32, #tpu.memory_space<vmem>>
    %dma_wait3A_328 = arith.constant 0 : i32
    %dma_wait3A_329 = tpu.memref_slice %arg2[%dma_wait3A_328] : memref<4096xf32, #tpu.memory_space<hbm>> -> memref<128xf32, #tpu.memory_space<hbm>>
    %dma_wait3A_330 = arith.constant 0 : i32
    %dma_wait3A_331 = tpu.memref_slice %arg13[%dma_wait3A_330] : memref<6272xf32, #tpu.memory_space<vmem>> -> memref<128xf32, #tpu.memory_space<vmem>>
    %dma_wait3A_332 = arith.constant 0 : i32
    %dma_wait3A_333 = tpu.memref_slice %arg2[%dma_wait3A_332] : memref<4096xf32, #tpu.memory_space<hbm>> -> memref<128xf32, #tpu.memory_space<hbm>>
    tpu.wait_dma2 semaphore(%arg22 : memref<!tpu.dma_semaphore, #tpu.memory_space<semaphore_mem>>) src(%dma_wait3A_333 : memref<128xf32, #tpu.memory_space<hbm>>) dst(%dma_wait3A_331 : memref<128xf32, #tpu.memory_space<vmem>>)
    %dma_wait3A_334 = arith.constant 0 : i32
    %dma_wait3A_335 = tpu.memref_slice %arg13[%dma_wait3A_334] : memref<6272xf32, #tpu.memory_space<vmem>> -> memref<128xf32, #tpu.memory_space<vmem>>
    %dma_wait3A_336 = arith.constant 0 : i32
    %dma_wait3A_337 = tpu.memref_slice %arg2[%dma_wait3A_336] : memref<4096xf32, #tpu.memory_space<hbm>> -> memref<128xf32, #tpu.memory_space<hbm>>
    %dma_wait3A_338 = arith.constant 0 : i32
    %dma_wait3A_339 = tpu.memref_slice %arg13[%dma_wait3A_338] : memref<6272xf32, #tpu.memory_space<vmem>> -> memref<128xf32, #tpu.memory_space<vmem>>
    %dma_wait3A_340 = arith.constant 0 : i32
    %dma_wait3A_341 = tpu.memref_slice %arg2[%dma_wait3A_340] : memref<4096xf32, #tpu.memory_space<hbm>> -> memref<128xf32, #tpu.memory_space<hbm>>
    tpu.wait_dma2 semaphore(%arg22 : memref<!tpu.dma_semaphore, #tpu.memory_space<semaphore_mem>>) src(%dma_wait3A_341 : memref<128xf32, #tpu.memory_space<hbm>>) dst(%dma_wait3A_339 : memref<128xf32, #tpu.memory_space<vmem>>)
    %dma_wait3A_342 = arith.constant 0 : i32
    %dma_wait3A_343 = tpu.memref_slice %arg13[%dma_wait3A_342] : memref<6272xf32, #tpu.memory_space<vmem>> -> memref<128xf32, #tpu.memory_space<vmem>>
    %dma_wait3A_344 = arith.constant 0 : i32
    %dma_wait3A_345 = tpu.memref_slice %arg2[%dma_wait3A_344] : memref<4096xf32, #tpu.memory_space<hbm>> -> memref<128xf32, #tpu.memory_space<hbm>>
    %dma_wait3A_346 = arith.constant 0 : i32
    %dma_wait3A_347 = tpu.memref_slice %arg13[%dma_wait3A_346] : memref<6272xf32, #tpu.memory_space<vmem>> -> memref<128xf32, #tpu.memory_space<vmem>>
    %dma_wait3A_348 = arith.constant 0 : i32
    %dma_wait3A_349 = tpu.memref_slice %arg2[%dma_wait3A_348] : memref<4096xf32, #tpu.memory_space<hbm>> -> memref<128xf32, #tpu.memory_space<hbm>>
    tpu.wait_dma2 semaphore(%arg22 : memref<!tpu.dma_semaphore, #tpu.memory_space<semaphore_mem>>) src(%dma_wait3A_349 : memref<128xf32, #tpu.memory_space<hbm>>) dst(%dma_wait3A_347 : memref<128xf32, #tpu.memory_space<vmem>>)
    %dma_wait3A_350 = arith.constant 0 : i32
    %dma_wait3A_351 = tpu.memref_slice %arg13[%dma_wait3A_350] : memref<6272xf32, #tpu.memory_space<vmem>> -> memref<128xf32, #tpu.memory_space<vmem>>
    %dma_wait3A_352 = arith.constant 0 : i32
    %dma_wait3A_353 = tpu.memref_slice %arg2[%dma_wait3A_352] : memref<4096xf32, #tpu.memory_space<hbm>> -> memref<128xf32, #tpu.memory_space<hbm>>
    %dma_wait3A_354 = arith.constant 0 : i32
    %dma_wait3A_355 = tpu.memref_slice %arg13[%dma_wait3A_354] : memref<6272xf32, #tpu.memory_space<vmem>> -> memref<128xf32, #tpu.memory_space<vmem>>
    %dma_wait3A_356 = arith.constant 0 : i32
    %dma_wait3A_357 = tpu.memref_slice %arg2[%dma_wait3A_356] : memref<4096xf32, #tpu.memory_space<hbm>> -> memref<128xf32, #tpu.memory_space<hbm>>
    tpu.wait_dma2 semaphore(%arg22 : memref<!tpu.dma_semaphore, #tpu.memory_space<semaphore_mem>>) src(%dma_wait3A_357 : memref<128xf32, #tpu.memory_space<hbm>>) dst(%dma_wait3A_355 : memref<128xf32, #tpu.memory_space<vmem>>)
    %dma_wait3A_358 = arith.constant 0 : i32
    %dma_wait3A_359 = tpu.memref_slice %arg13[%dma_wait3A_358] : memref<6272xf32, #tpu.memory_space<vmem>> -> memref<128xf32, #tpu.memory_space<vmem>>
    %dma_wait3A_360 = arith.constant 0 : i32
    %dma_wait3A_361 = tpu.memref_slice %arg2[%dma_wait3A_360] : memref<4096xf32, #tpu.memory_space<hbm>> -> memref<128xf32, #tpu.memory_space<hbm>>
    %dma_wait3A_362 = arith.constant 0 : i32
    %dma_wait3A_363 = tpu.memref_slice %arg13[%dma_wait3A_362] : memref<6272xf32, #tpu.memory_space<vmem>> -> memref<128xf32, #tpu.memory_space<vmem>>
    %dma_wait3A_364 = arith.constant 0 : i32
    %dma_wait3A_365 = tpu.memref_slice %arg2[%dma_wait3A_364] : memref<4096xf32, #tpu.memory_space<hbm>> -> memref<128xf32, #tpu.memory_space<hbm>>
    tpu.wait_dma2 semaphore(%arg22 : memref<!tpu.dma_semaphore, #tpu.memory_space<semaphore_mem>>) src(%dma_wait3A_365 : memref<128xf32, #tpu.memory_space<hbm>>) dst(%dma_wait3A_363 : memref<128xf32, #tpu.memory_space<vmem>>)
    %dma_wait3A_366 = arith.constant 0 : i32
    %dma_wait3A_367 = tpu.memref_slice %arg13[%dma_wait3A_366] : memref<6272xf32, #tpu.memory_space<vmem>> -> memref<128xf32, #tpu.memory_space<vmem>>
    %dma_wait3A_368 = arith.constant 0 : i32
    %dma_wait3A_369 = tpu.memref_slice %arg2[%dma_wait3A_368] : memref<4096xf32, #tpu.memory_space<hbm>> -> memref<128xf32, #tpu.memory_space<hbm>>
    %dma_wait3A_370 = arith.constant 0 : i32
    %dma_wait3A_371 = tpu.memref_slice %arg13[%dma_wait3A_370] : memref<6272xf32, #tpu.memory_space<vmem>> -> memref<128xf32, #tpu.memory_space<vmem>>
    %dma_wait3A_372 = arith.constant 0 : i32
    %dma_wait3A_373 = tpu.memref_slice %arg2[%dma_wait3A_372] : memref<4096xf32, #tpu.memory_space<hbm>> -> memref<128xf32, #tpu.memory_space<hbm>>
    tpu.wait_dma2 semaphore(%arg22 : memref<!tpu.dma_semaphore, #tpu.memory_space<semaphore_mem>>) src(%dma_wait3A_373 : memref<128xf32, #tpu.memory_space<hbm>>) dst(%dma_wait3A_371 : memref<128xf32, #tpu.memory_space<vmem>>)
    %dma_wait3A_374 = arith.constant 0 : i32
    %dma_wait3A_375 = tpu.memref_slice %arg13[%dma_wait3A_374] : memref<6272xf32, #tpu.memory_space<vmem>> -> memref<128xf32, #tpu.memory_space<vmem>>
    %dma_wait3A_376 = arith.constant 0 : i32
    %dma_wait3A_377 = tpu.memref_slice %arg2[%dma_wait3A_376] : memref<4096xf32, #tpu.memory_space<hbm>> -> memref<128xf32, #tpu.memory_space<hbm>>
    %dma_wait3A_378 = arith.constant 0 : i32
    %dma_wait3A_379 = tpu.memref_slice %arg13[%dma_wait3A_378] : memref<6272xf32, #tpu.memory_space<vmem>> -> memref<128xf32, #tpu.memory_space<vmem>>
    %dma_wait3A_380 = arith.constant 0 : i32
    %dma_wait3A_381 = tpu.memref_slice %arg2[%dma_wait3A_380] : memref<4096xf32, #tpu.memory_space<hbm>> -> memref<128xf32, #tpu.memory_space<hbm>>
    tpu.wait_dma2 semaphore(%arg22 : memref<!tpu.dma_semaphore, #tpu.memory_space<semaphore_mem>>) src(%dma_wait3A_381 : memref<128xf32, #tpu.memory_space<hbm>>) dst(%dma_wait3A_379 : memref<128xf32, #tpu.memory_space<vmem>>)
    %dma_wait3A_382 = arith.constant 0 : i32
    %dma_wait3A_383 = tpu.memref_slice %arg13[%dma_wait3A_382] : memref<6272xf32, #tpu.memory_space<vmem>> -> memref<128xf32, #tpu.memory_space<vmem>>
    %dma_wait3A_384 = arith.constant 0 : i32
    %dma_wait3A_385 = tpu.memref_slice %arg2[%dma_wait3A_384] : memref<4096xf32, #tpu.memory_space<hbm>> -> memref<128xf32, #tpu.memory_space<hbm>>
    %dma_wait3A_386 = arith.constant 0 : i32
    %dma_wait3A_387 = tpu.memref_slice %arg13[%dma_wait3A_386] : memref<6272xf32, #tpu.memory_space<vmem>> -> memref<128xf32, #tpu.memory_space<vmem>>
    %dma_wait3A_388 = arith.constant 0 : i32
    %dma_wait3A_389 = tpu.memref_slice %arg2[%dma_wait3A_388] : memref<4096xf32, #tpu.memory_space<hbm>> -> memref<128xf32, #tpu.memory_space<hbm>>
    tpu.wait_dma2 semaphore(%arg22 : memref<!tpu.dma_semaphore, #tpu.memory_space<semaphore_mem>>) src(%dma_wait3A_389 : memref<128xf32, #tpu.memory_space<hbm>>) dst(%dma_wait3A_387 : memref<128xf32, #tpu.memory_space<vmem>>)
    %dma_wait3A_390 = arith.constant 0 : i32
    %dma_wait3A_391 = tpu.memref_slice %arg13[%dma_wait3A_390] : memref<6272xf32, #tpu.memory_space<vmem>> -> memref<128xf32, #tpu.memory_space<vmem>>
    %dma_wait3A_392 = arith.constant 0 : i32
    %dma_wait3A_393 = tpu.memref_slice %arg2[%dma_wait3A_392] : memref<4096xf32, #tpu.memory_space<hbm>> -> memref<128xf32, #tpu.memory_space<hbm>>
    %dma_wait3A_394 = arith.constant 0 : i32
    %dma_wait3A_395 = tpu.memref_slice %arg13[%dma_wait3A_394] : memref<6272xf32, #tpu.memory_space<vmem>> -> memref<128xf32, #tpu.memory_space<vmem>>
    %dma_wait3A_396 = arith.constant 0 : i32
    %dma_wait3A_397 = tpu.memref_slice %arg2[%dma_wait3A_396] : memref<4096xf32, #tpu.memory_space<hbm>> -> memref<128xf32, #tpu.memory_space<hbm>>
    tpu.wait_dma2 semaphore(%arg22 : memref<!tpu.dma_semaphore, #tpu.memory_space<semaphore_mem>>) src(%dma_wait3A_397 : memref<128xf32, #tpu.memory_space<hbm>>) dst(%dma_wait3A_395 : memref<128xf32, #tpu.memory_space<vmem>>)
    %barrier3A_398 = arith.constant 0 : index
    tpu.barrier barrier_id(%barrier3A_398)
    "tpu.region"() ({
      %run_scoped3A = tpu.sem_alloc : memref<!tpu.dma_semaphore, #tpu.memory_space<semaphore_mem>>
      %dma_start3A_511 = tpu.memref_slice %arg15[%mul3A_8] : memref<4352xf32, #tpu.memory_space<vmem_shared>> -> memref<256xf32, #tpu.memory_space<vmem_shared>>
      %dma_start3A_512 = tpu.memref_slice %arg15[%mul3A_8] : memref<4352xf32, #tpu.memory_space<vmem_shared>> -> memref<256xf32, #tpu.memory_space<vmem_shared>>
      tpu.enqueue_dma source(%dma_start3A_512 : memref<256xf32, #tpu.memory_space<vmem_shared>>) target(%arg18 : memref<256xf32, #tpu.memory_space<vmem>>) target_semaphore(%run_scoped3A : memref<!tpu.dma_semaphore, #tpu.memory_space<semaphore_mem>>)
      %dma_wait3A_513 = tpu.memref_slice %arg15[%mul3A_8] : memref<4352xf32, #tpu.memory_space<vmem_shared>> -> memref<256xf32, #tpu.memory_space<vmem_shared>>
      %dma_wait3A_514 = tpu.memref_slice %arg15[%mul3A_8] : memref<4352xf32, #tpu.memory_space<vmem_shared>> -> memref<256xf32, #tpu.memory_space<vmem_shared>>
      tpu.wait_dma2 semaphore(%run_scoped3A : memref<!tpu.dma_semaphore, #tpu.memory_space<semaphore_mem>>) src(%dma_wait3A_514 : memref<256xf32, #tpu.memory_space<vmem_shared>>) dst(%arg18 : memref<256xf32, #tpu.memory_space<vmem>>)
      tpu.yield
    }) : () -> ()
    %get3A_399 = arith.constant 0 : index
    %get3A_400 = tpu.vector_load %arg19[%get3A_399] {strides = array<i32>} : memref<256xf32, #tpu.memory_space<vmem>>, vector<16xf32>,
    %get3A_401 = arith.constant 0 : index
    %get3A_402 = tpu.vector_load %arg18[%get3A_401] {strides = array<i32>} : memref<256xf32, #tpu.memory_space<vmem>>, vector<16xf32>,
    %add3A_403 = arith.addf %get3A_400, %get3A_402 : vector<16xf32>
    %swap3A_404 = arith.constant 0 : index
    %swap3A_405 = tpu.vector_load %arg19[%swap3A_404] {strides = array<i32>} : memref<256xf32, #tpu.memory_space<vmem>>, vector<16xf32>,
    tpu.vector_store %arg19[%swap3A_404], %add3A_403 {strides = array<i32>} : memref<256xf32, #tpu.memory_space<vmem>>, vector<16xf32>,
    %get3A_406 = arith.constant 16 : index
    %get3A_407 = tpu.vector_load %arg19[%get3A_406] {strides = array<i32>} : memref<256xf32, #tpu.memory_space<vmem>>, vector<16xf32>,
    %get3A_408 = arith.constant 16 : index
    %get3A_409 = tpu.vector_load %arg18[%get3A_408] {strides = array<i32>} : memref<256xf32, #tpu.memory_space<vmem>>, vector<16xf32>,
    %add3A_410 = arith.addf %get3A_407, %get3A_409 : vector<16xf32>
    %swap3A_411 = arith.constant 16 : index
    %swap3A_412 = tpu.vector_load %arg19[%swap3A_411] {strides = array<i32>} : memref<256xf32, #tpu.memory_space<vmem>>, vector<16xf32>,
    tpu.vector_store %arg19[%swap3A_411], %add3A_410 {strides = array<i32>} : memref<256xf32, #tpu.memory_space<vmem>>, vector<16xf32>,
    %get3A_413 = arith.constant 32 : index
    %get3A_414 = tpu.vector_load %arg19[%get3A_413] {strides = array<i32>} : memref<256xf32, #tpu.memory_space<vmem>>, vector<16xf32>,
    %get3A_415 = arith.constant 32 : index
    %get3A_416 = tpu.vector_load %arg18[%get3A_415] {strides = array<i32>} : memref<256xf32, #tpu.memory_space<vmem>>, vector<16xf32>,
    %add3A_417 = arith.addf %get3A_414, %get3A_416 : vector<16xf32>
    %swap3A_418 = arith.constant 32 : index
    %swap3A_419 = tpu.vector_load %arg19[%swap3A_418] {strides = array<i32>} : memref<256xf32, #tpu.memory_space<vmem>>, vector<16xf32>,
    tpu.vector_store %arg19[%swap3A_418], %add3A_417 {strides = array<i32>} : memref<256xf32, #tpu.memory_space<vmem>>, vector<16xf32>,
    %get3A_420 = arith.constant 48 : index
    %get3A_421 = tpu.vector_load %arg19[%get3A_420] {strides = array<i32>} : memref<256xf32, #tpu.memory_space<vmem>>, vector<16xf32>,
    %get3A_422 = arith.constant 48 : index
    %get3A_423 = tpu.vector_load %arg18[%get3A_422] {strides = array<i32>} : memref<256xf32, #tpu.memory_space<vmem>>, vector<16xf32>,
    %add3A_424 = arith.addf %get3A_421, %get3A_423 : vector<16xf32>
    %swap3A_425 = arith.constant 48 : index
    %swap3A_426 = tpu.vector_load %arg19[%swap3A_425] {strides = array<i32>} : memref<256xf32, #tpu.memory_space<vmem>>, vector<16xf32>,
    tpu.vector_store %arg19[%swap3A_425], %add3A_424 {strides = array<i32>} : memref<256xf32, #tpu.memory_space<vmem>>, vector<16xf32>,
    %get3A_427 = arith.constant 64 : index
    %get3A_428 = tpu.vector_load %arg19[%get3A_427] {strides = array<i32>} : memref<256xf32, #tpu.memory_space<vmem>>, vector<16xf32>,
    %get3A_429 = arith.constant 64 : index
    %get3A_430 = tpu.vector_load %arg18[%get3A_429] {strides = array<i32>} : memref<256xf32, #tpu.memory_space<vmem>>, vector<16xf32>,
    %add3A_431 = arith.addf %get3A_428, %get3A_430 : vector<16xf32>
    %swap3A_432 = arith.constant 64 : index
    %swap3A_433 = tpu.vector_load %arg19[%swap3A_432] {strides = array<i32>} : memref<256xf32, #tpu.memory_space<vmem>>, vector<16xf32>,
    tpu.vector_store %arg19[%swap3A_432], %add3A_431 {strides = array<i32>} : memref<256xf32, #tpu.memory_space<vmem>>, vector<16xf32>,
    %get3A_434 = arith.constant 80 : index
    %get3A_435 = tpu.vector_load %arg19[%get3A_434] {strides = array<i32>} : memref<256xf32, #tpu.memory_space<vmem>>, vector<16xf32>,
    %get3A_436 = arith.constant 80 : index
    %get3A_437 = tpu.vector_load %arg18[%get3A_436] {strides = array<i32>} : memref<256xf32, #tpu.memory_space<vmem>>, vector<16xf32>,
    %add3A_438 = arith.addf %get3A_435, %get3A_437 : vector<16xf32>
    %swap3A_439 = arith.constant 80 : index
    %swap3A_440 = tpu.vector_load %arg19[%swap3A_439] {strides = array<i32>} : memref<256xf32, #tpu.memory_space<vmem>>, vector<16xf32>,
    tpu.vector_store %arg19[%swap3A_439], %add3A_438 {strides = array<i32>} : memref<256xf32, #tpu.memory_space<vmem>>, vector<16xf32>,
    %get3A_441 = arith.constant 96 : index
    %get3A_442 = tpu.vector_load %arg19[%get3A_441] {strides = array<i32>} : memref<256xf32, #tpu.memory_space<vmem>>, vector<16xf32>,
    %get3A_443 = arith.constant 96 : index
    %get3A_444 = tpu.vector_load %arg18[%get3A_443] {strides = array<i32>} : memref<256xf32, #tpu.memory_space<vmem>>, vector<16xf32>,
    %add3A_445 = arith.addf %get3A_442, %get3A_444 : vector<16xf32>
    %swap3A_446 = arith.constant 96 : index
    %swap3A_447 = tpu.vector_load %arg19[%swap3A_446] {strides = array<i32>} : memref<256xf32, #tpu.memory_space<vmem>>, vector<16xf32>,
    tpu.vector_store %arg19[%swap3A_446], %add3A_445 {strides = array<i32>} : memref<256xf32, #tpu.memory_space<vmem>>, vector<16xf32>,
    %get3A_448 = arith.constant 112 : index
    %get3A_449 = tpu.vector_load %arg19[%get3A_448] {strides = array<i32>} : memref<256xf32, #tpu.memory_space<vmem>>, vector<16xf32>,
    %get3A_450 = arith.constant 112 : index
    %get3A_451 = tpu.vector_load %arg18[%get3A_450] {strides = array<i32>} : memref<256xf32, #tpu.memory_space<vmem>>, vector<16xf32>,
    %add3A_452 = arith.addf %get3A_449, %get3A_451 : vector<16xf32>
    %swap3A_453 = arith.constant 112 : index
    %swap3A_454 = tpu.vector_load %arg19[%swap3A_453] {strides = array<i32>} : memref<256xf32, #tpu.memory_space<vmem>>, vector<16xf32>,
    tpu.vector_store %arg19[%swap3A_453], %add3A_452 {strides = array<i32>} : memref<256xf32, #tpu.memory_space<vmem>>, vector<16xf32>,
    %get3A_455 = arith.constant 128 : index
    %get3A_456 = tpu.vector_load %arg19[%get3A_455] {strides = array<i32>} : memref<256xf32, #tpu.memory_space<vmem>>, vector<16xf32>,
    %get3A_457 = arith.constant 128 : index
    %get3A_458 = tpu.vector_load %arg18[%get3A_457] {strides = array<i32>} : memref<256xf32, #tpu.memory_space<vmem>>, vector<16xf32>,
    %add3A_459 = arith.addf %get3A_456, %get3A_458 : vector<16xf32>
    %swap3A_460 = arith.constant 128 : index
    %swap3A_461 = tpu.vector_load %arg19[%swap3A_460] {strides = array<i32>} : memref<256xf32, #tpu.memory_space<vmem>>, vector<16xf32>,
    tpu.vector_store %arg19[%swap3A_460], %add3A_459 {strides = array<i32>} : memref<256xf32, #tpu.memory_space<vmem>>, vector<16xf32>,
    %get3A_462 = arith.constant 144 : index
    %get3A_463 = tpu.vector_load %arg19[%get3A_462] {strides = array<i32>} : memref<256xf32, #tpu.memory_space<vmem>>, vector<16xf32>,
    %get3A_464 = arith.constant 144 : index
    %get3A_465 = tpu.vector_load %arg18[%get3A_464] {strides = array<i32>} : memref<256xf32, #tpu.memory_space<vmem>>, vector<16xf32>,
    %add3A_466 = arith.addf %get3A_463, %get3A_465 : vector<16xf32>
    %swap3A_467 = arith.constant 144 : index
    %swap3A_468 = tpu.vector_load %arg19[%swap3A_467] {strides = array<i32>} : memref<256xf32, #tpu.memory_space<vmem>>, vector<16xf32>,
    tpu.vector_store %arg19[%swap3A_467], %add3A_466 {strides = array<i32>} : memref<256xf32, #tpu.memory_space<vmem>>, vector<16xf32>,
    %get3A_469 = arith.constant 160 : index
    %get3A_470 = tpu.vector_load %arg19[%get3A_469] {strides = array<i32>} : memref<256xf32, #tpu.memory_space<vmem>>, vector<16xf32>,
    %get3A_471 = arith.constant 160 : index
    %get3A_472 = tpu.vector_load %arg18[%get3A_471] {strides = array<i32>} : memref<256xf32, #tpu.memory_space<vmem>>, vector<16xf32>,
    %add3A_473 = arith.addf %get3A_470, %get3A_472 : vector<16xf32>
    %swap3A_474 = arith.constant 160 : index
    %swap3A_475 = tpu.vector_load %arg19[%swap3A_474] {strides = array<i32>} : memref<256xf32, #tpu.memory_space<vmem>>, vector<16xf32>,
    tpu.vector_store %arg19[%swap3A_474], %add3A_473 {strides = array<i32>} : memref<256xf32, #tpu.memory_space<vmem>>, vector<16xf32>,
    %get3A_476 = arith.constant 176 : index
    %get3A_477 = tpu.vector_load %arg19[%get3A_476] {strides = array<i32>} : memref<256xf32, #tpu.memory_space<vmem>>, vector<16xf32>,
    %get3A_478 = arith.constant 176 : index
    %get3A_479 = tpu.vector_load %arg18[%get3A_478] {strides = array<i32>} : memref<256xf32, #tpu.memory_space<vmem>>, vector<16xf32>,
    %add3A_480 = arith.addf %get3A_477, %get3A_479 : vector<16xf32>
    %swap3A_481 = arith.constant 176 : index
    %swap3A_482 = tpu.vector_load %arg19[%swap3A_481] {strides = array<i32>} : memref<256xf32, #tpu.memory_space<vmem>>, vector<16xf32>,
    tpu.vector_store %arg19[%swap3A_481], %add3A_480 {strides = array<i32>} : memref<256xf32, #tpu.memory_space<vmem>>, vector<16xf32>,
    %get3A_483 = arith.constant 192 : index
    %get3A_484 = tpu.vector_load %arg19[%get3A_483] {strides = array<i32>} : memref<256xf32, #tpu.memory_space<vmem>>, vector<16xf32>,
    %get3A_485 = arith.constant 192 : index
    %get3A_486 = tpu.vector_load %arg18[%get3A_485] {strides = array<i32>} : memref<256xf32, #tpu.memory_space<vmem>>, vector<16xf32>,
    %add3A_487 = arith.addf %get3A_484, %get3A_486 : vector<16xf32>
    %swap3A_488 = arith.constant 192 : index
    %swap3A_489 = tpu.vector_load %arg19[%swap3A_488] {strides = array<i32>} : memref<256xf32, #tpu.memory_space<vmem>>, vector<16xf32>,
    tpu.vector_store %arg19[%swap3A_488], %add3A_487 {strides = array<i32>} : memref<256xf32, #tpu.memory_space<vmem>>, vector<16xf32>,
    %get3A_490 = arith.constant 208 : index
    %get3A_491 = tpu.vector_load %arg19[%get3A_490] {strides = array<i32>} : memref<256xf32, #tpu.memory_space<vmem>>, vector<16xf32>,
    %get3A_492 = arith.constant 208 : index
    %get3A_493 = tpu.vector_load %arg18[%get3A_492] {strides = array<i32>} : memref<256xf32, #tpu.memory_space<vmem>>, vector<16xf32>,
    %add3A_494 = arith.addf %get3A_491, %get3A_493 : vector<16xf32>
    %swap3A_495 = arith.constant 208 : index
    %swap3A_496 = tpu.vector_load %arg19[%swap3A_495] {strides = array<i32>} : memref<256xf32, #tpu.memory_space<vmem>>, vector<16xf32>,
    tpu.vector_store %arg19[%swap3A_495], %add3A_494 {strides = array<i32>} : memref<256xf32, #tpu.memory_space<vmem>>, vector<16xf32>,
    %get3A_497 = arith.constant 224 : index
    %get3A_498 = tpu.vector_load %arg19[%get3A_497] {strides = array<i32>} : memref<256xf32, #tpu.memory_space<vmem>>, vector<16xf32>,
    %get3A_499 = arith.constant 224 : index
    %get3A_500 = tpu.vector_load %arg18[%get3A_499] {strides = array<i32>} : memref<256xf32, #tpu.memory_space<vmem>>, vector<16xf32>,
    %add3A_501 = arith.addf %get3A_498, %get3A_500 : vector<16xf32>
    %swap3A_502 = arith.constant 224 : index
    %swap3A_503 = tpu.vector_load %arg19[%swap3A_502] {strides = array<i32>} : memref<256xf32, #tpu.memory_space<vmem>>, vector<16xf32>,
    tpu.vector_store %arg19[%swap3A_502], %add3A_501 {strides = array<i32>} : memref<256xf32, #tpu.memory_space<vmem>>, vector<16xf32>,
    %get3A_504 = arith.constant 240 : index
    %get3A_505 = tpu.vector_load %arg19[%get3A_504] {strides = array<i32>} : memref<256xf32, #tpu.memory_space<vmem>>, vector<16xf32>,
    %get3A_506 = arith.constant 240 : index
    %get3A_507 = tpu.vector_load %arg18[%get3A_506] {strides = array<i32>} : memref<256xf32, #tpu.memory_space<vmem>>, vector<16xf32>,
    %add3A_508 = arith.addf %get3A_505, %get3A_507 : vector<16xf32>
    %swap3A_509 = arith.constant 240 : index
    %swap3A_510 = tpu.vector_load %arg19[%swap3A_509] {strides = array<i32>} : memref<256xf32, #tpu.memory_space<vmem>>, vector<16xf32>,
    tpu.vector_store %arg19[%swap3A_509], %add3A_508 {strides = array<i32>} : memref<256xf32, #tpu.memory_space<vmem>>, vector<16xf32>,
    "tpu.region"() ({
      %run_scoped3A = tpu.sem_alloc : memref<!tpu.dma_semaphore, #tpu.memory_space<semaphore_mem>>
      %dma_start3A_511 = tpu.memref_slice %arg9[%mul3A_8] : memref<4096xf32, #tpu.memory_space<hbm>> -> memref<256xf32, #tpu.memory_space<hbm>>
      %dma_start3A_512 = tpu.memref_slice %arg9[%mul3A_8] : memref<4096xf32, #tpu.memory_space<hbm>> -> memref<256xf32, #tpu.memory_space<hbm>>
      tpu.enqueue_dma source(%arg19 : memref<256xf32, #tpu.memory_space<vmem>>) target(%dma_start3A_512 : memref<256xf32, #tpu.memory_space<hbm>>) target_semaphore(%run_scoped3A : memref<!tpu.dma_semaphore, #tpu.memory_space<semaphore_mem>>)
      %dma_wait3A_513 = tpu.memref_slice %arg9[%mul3A_8] : memref<4096xf32, #tpu.memory_space<hbm>> -> memref<256xf32, #tpu.memory_space<hbm>>
      %dma_wait3A_514 = tpu.memref_slice %arg9[%mul3A_8] : memref<4096xf32, #tpu.memory_space<hbm>> -> memref<256xf32, #tpu.memory_space<hbm>>
      tpu.wait_dma2 semaphore(%run_scoped3A : memref<!tpu.dma_semaphore, #tpu.memory_space<semaphore_mem>>) src(%arg19 : memref<256xf32, #tpu.memory_space<vmem>>) dst(%dma_wait3A_514 : memref<256xf32, #tpu.memory_space<hbm>>)
      tpu.yield
    }) : () -> ()
    return
  }
}

</mosaic_0001>

<sc_bundles>
// kernel: _run.3.cloned.1.call-start
scs
__scs_entry_jumppad:
0x0: {  	(pc) =	sbr.rel $0x88, $3  }
0x1: {  	(tag) =	ssettag $0x0;
	lr =	simm.s32 $0x1  }
0x2: {  	[smem:$0x3F9A] =	sst lr;
	_ =	strace $0xD0000000  }
0x3: {  	_ = 	snop  }
0x4: {  	_ = 	snop  }
0x5: {  	_ = 	snop  }
0x6: {  	_ = 	snop  }
0x7: {  	_ = 	snop  }
__scs_overlays_trampoline_lowered:
0x8: {  	[smem:$0x3FA9] =	sst s0  }
0x9: {  	[smem:$0x3FAA] =	sst s1  }
0xa: {  	[smem:$0x3FAB] =	sst s2  }
0xb: {  	[smem:$0x3FAC] =	sst s3  }
0xc: {  	[smem:$0x3FAD] =	sst s4  }
0xd: {  	[smem:$0x3FAE] =	sst s5  }
0xe: {  	[smem:$0x3FAF] =	sst s6  }
0xf: {  	[smem:$0x3FB0] =	sst s7  }
0x10: {  	[smem:$0x3FB1] =	sst s8  }
0x11: {  	[smem:$0x3FB2] =	sst s9;
	s0 =	simm.s32 @!p0 $0x0  }
0x12: {  	s1 =	sld [smem:$0x3F98];
	s0 =	simm.s32 @p0 $0x1  }
0x13: {  	[smem:$0x3FB3] =	sst s0;
	s0 =	simm.s32 @!p1 $0x0  }
0x14: {  	s2 =	sld [smem:$0x3F97];
	s0 =	simm.s32 @p1 $0x1  }
0x15: {  	[smem:$0x3FB4] =	sst s0;
	s0 =	simm.s32 @!p2 $0x0  }
0x16: {  	s3 =	sld [smem:$0x3FDB];
	s0 =	simm.s32 @p2 $0x1  }
0x17: {  	s4 =	simm.s32 $0x1BF5;
	[smem:$0x3FB6] =	sst s0  }
0x18: {  	s0 =	sld [smem:$0x3F99];
	_ =	swait.ge [sflag:s4], $0x0  }
0x19: {  	s7 =	sld [smem:$0x3F9A]  }
0x1a: {  	s8 =	sadd.s32 $0xFFFFE003, lr  }
0x1b: {  	s9 =	sadd.s32 $0xFFFFFEF7, lr;
	s5 =	simm.s32 $0xFFFFFFFF;
	p2 =	slt.u32 s8, $0xFFFFF086  }
0x1c: {  	p1 =	slt.u32 s9, $0xF7A;
	s5 =	simm.s32 @!p2 $0x0  }
0x1d: {  	s5 =	simm.s32 @p1 $0x1;
	p0 =	seq.s32 s7, s2  }
0x1e: {  	s7 =	smul.u32 @!p0 $0xF7A, s2;
	p2 =	seq.s32 @!p0 s5, $0x0  }
0x1f: {  	s9 =	smul.u32 $0xF7A, s1;
	s8 =	simm.s32 @!p0 $0x1BF5;
	p2 =	por !p2, p0  }
0x20: {  	[sflag:s8] =	ssyncset.s32 @!p0 $0xFFFFF086;
	s6 =	sadd.s32 @!p0 s3, s7;
	s7 =	simm.s32 @!p0 $0x108  }
0x21: {  	s3 =	sadd.s32 s3, s9;
	s6 =	sadd.s32 @!p0 $0x88, s6;
	s7 =	simm.s32 @p2 $0x1082  }
0x22: {  	[simem:s7], [sflag:s8] =	dma.local @!p0 [hbm:s6], $0xF7A  }
0x23: {  	s9 =	sor.u32 $0xD0000000, s2;
	s6 =	simm.s32 $0x108;
	_ =	swait.ge @!p0 [sflag:s8], $0x0  }
0x24: {  	s3 =	sadd.s32 $0x88, s3;
	s6 =	simm.s32 @!p1 $0x1082;
	[sflag:s4] =	ssyncset.s32 $0xFFFFF086  }
0x25: {  	[simem:s6], [sflag:s4] =	dma.local [hbm:s3], $0xF7A  }
0x26: {  	[smem:$0x3F9A] =	sst s1;
	(tag) =	ssettag s2;
	_ =	strace s9  }
0x27: {  	s1 =	sld [smem:$0x3FAA]  }
0x28: {  	s2 =	sld [smem:$0x3FAB]  }
0x29: {  	s4 =	sld [smem:$0x3FAD]  }
0x2a: {  	p0 =	seq.s32 s5, $0x0;
	s5 =	sld [smem:$0x3FAE]  }
0x2b: {  	s6 =	sld [smem:$0x3FAF]  }
0x2c: {  	s7 =	sld [smem:$0x3FB0]  }
0x2d: {  	s3 =	simm.s32 $0x108;
	s8 =	sld [smem:$0x3FB1]  }
0x2e: {  	s3 =	simm.s32 @!p0 $0x1082;
	s9 =	sld [smem:$0x3FB2]  }
0x2f: {  	lr =	sadd.s32 s0, s3;
	s0 =	sld [smem:$0x3FA9]  }
0x30: {  	s3 =	sld [smem:$0x3FAC]  }
0x31: {  	[smem:$0x3FB5] =	sst s10  }
0x32: {  	s10 =	sld [smem:$0x3FB3];
	_ =	sdelay $0x3  }
0x33: {  	p0 =	seq.s32 s10, $0x1;
	s10 =	sld [smem:$0x3FB5];
	_ =	sdelay $0x3  }
0x34: {  	[smem:$0x3FB5] =	sst s10  }
0x35: {  	s10 =	sld [smem:$0x3FB4];
	_ =	sdelay $0x3  }
0x36: {  	p1 =	seq.s32 s10, $0x1;
	s10 =	sld [smem:$0x3FB5];
	_ =	sdelay $0x3  }
0x37: {  	[smem:$0x3FB5] =	sst s10  }
0x38: {  	s10 =	sld [smem:$0x3FB6]  }
0x39: {  	_ = 	snop;
	(pc) =	sbr.ind lr, $3  }
0x3a: {  	_ = 	snop  }
0x3b: {  	_ = 	snop  }
0x3c: {  	p2 =	seq.s32 s10, $0x1;
	s10 =	sld [smem:$0x3FB5]  }
0x3d: {  	_ =	shalt  }
0x3e: {  	_ =	shalt  }
0x3f: {  	_ =	shalt  }
0x40: {  	_ =	shalt  }
0x41: {  	_ =	shalt  }
0x42: {  	_ =	shalt  }
0x43: {  	_ =	shalt  }
0x44: {  	_ =	shalt  }
0x45: {  	_ =	shalt  }
0x46: {  	_ =	shalt  }
0x47: {  	_ =	shalt  }
0x48: {  	_ =	shalt  }
0x49: {  	_ =	shalt  }
0x4a: {  	_ =	shalt  }
0x4b: {  	_ =	shalt  }
0x4c: {  	_ =	shalt  }
0x4d: {  	_ =	shalt  }
0x4e: {  	_ =	shalt  }
0x4f: {  	_ =	shalt  }
0x50: {  	_ =	shalt  }
0x51: {  	_ =	shalt  }
0x52: {  	_ =	shalt  }
0x53: {  	_ =	shalt  }
0x54: {  	_ =	shalt  }
0x55: {  	_ =	shalt  }
0x56: {  	_ =	shalt  }
0x57: {  	_ =	shalt  }
0x58: {  	_ =	shalt  }
0x59: {  	_ =	shalt  }
0x5a: {  	_ =	shalt  }
0x5b: {  	_ =	shalt  }
0x5c: {  	_ =	shalt  }
0x5d: {  	_ =	shalt  }
0x5e: {  	_ =	shalt  }
0x5f: {  	_ =	shalt  }
0x60: {  	_ =	shalt  }
0x61: {  	_ =	shalt  }
0x62: {  	_ =	shalt  }
0x63: {  	_ =	shalt  }
0x64: {  	_ =	shalt  }
0x65: {  	_ =	shalt  }
0x66: {  	_ =	shalt  }
0x67: {  	_ =	shalt  }
0x68: {  	_ =	shalt  }
0x69: {  	_ =	shalt  }
0x6a: {  	_ =	shalt  }
0x6b: {  	_ =	shalt  }
0x6c: {  	_ =	shalt  }
0x6d: {  	_ =	shalt  }
0x6e: {  	_ =	shalt  }
0x6f: {  	_ =	shalt  }
0x70: {  	_ =	shalt  }
0x71: {  	_ =	shalt  }
0x72: {  	_ =	shalt  }
0x73: {  	_ =	shalt  }
0x74: {  	_ =	shalt  }
0x75: {  	_ =	shalt  }
0x76: {  	_ =	shalt  }
0x77: {  	_ =	shalt  }
0x78: {  	_ =	shalt  }
0x79: {  	_ =	shalt  }
0x7a: {  	_ =	shalt  }
0x7b: {  	_ =	shalt  }
0x7c: {  	_ =	shalt  }
0x7d: {  	_ =	shalt  }
0x7e: {  	_ =	shalt  }
0x7f: {  	_ =	shalt  }
0x80: {  	_ =	shalt  }
0x81: {  	_ =	shalt  }
0x82: {  	_ =	shalt  }
0x83: {  	_ =	shalt  }
0x84: {  	_ =	shalt  }
0x85: {  	_ =	shalt  }
0x86: {  	_ =	shalt  }
0x87: {  	_ =	shalt  }
.Lfunc_end0:
.L_simem_size_0:
called_computation_lowered:
.L_overlay_start_0:
0x88: {  	s0 =	sld [smem:$0x3FD9]  }
0x89: {  	s1 =	sld [smem:$0x3FFE];
	_ =	sdelay $0x3  }
0x8a: {  	s0 =	sadd.s32 s1, s0  }
0x8b: {  	[smem:$0x3FC1] =	sst s0  }
0x8c: {  	_ = 	snop  }
0x8d: {  	s0 =	sld [smem:$0x3FC9]  }
0x8e: {  	s17 =	sld [smem:$0x3FC8]  }
0x8f: {  	s2 =	sld [smem:$0x3FC7]  }
0x90: {  	s3 =	sld [smem:$0x3FC6]  }
0x91: {  	s4 =	sld [smem:$0x3FC5]  }
0x92: {  	s5 =	sld [smem:$0x3FC4]  }
0x93: {  	s6 =	sld [smem:$0x3FC3]  }
0x94: {  	s7 =	sld [smem:$0x3FD0];
	(tm) =	ssettm $0x1  }
0x95: {  	s8 =	sld [smem:$0x3FFB];
	_ =	sdelay $0x3  }
0x96: {  	_ =	strace s8  }
0x97: {  	s8 =	sld [smem:$0x3FFC];
	_ =	sdelay $0x3  }
0x98: {  	_ =	strace s8  }
0x99: {  	s8 =	sld [smem:$0x3FFD];
	_ =	sdelay $0x3  }
0x9a: {  	_ =	strace s8  }
0x9b: {  	_ =	strace $0x8FFFFFFF  }
0x9c: {  	s18 =	sld [smem:$0x3FDB];
	_ =	sdelay $0x1  }
0x9d: {  	s9 =	simm.s32 $_scs_section_size  }
0x9e: {  	s10 =	simm.s32 $_size__tile_overlayer_lowered;
	s11 =	simm.s32 $_tile_overlayer_lowered  }
0x9f: {  	s21 =	simm.s32 $0x1BFF;
	s20 =	sshll.u32 s11, $0x1;
	s8 =	sadd.s32 s9, s18  }
0xa0: {  	s12 =	simm.s32 $0x0;
	s19 =	sshll.u32 s10, $0x1;
	s10 =	sadd.s32 s20, s8  }
0xa1: {  	[timem:s12], [sflag:s21] =	dma.local [hbm:s10], s19  }
0xa2: {  	_ =	swait.ge [sflag:s21], s19  }
0xa3: {  	s9 =	ssub.s32 $0x0, s19;
	[sflag:s21] =	ssyncset.done $0x0  }
0xa4: {  	[sflag:s21] =	ssyncadd.s32 s9;
	_ =	sdelay $0x1  }
0xa5: {  	s22 =	simm.s32 $0x1B8B  }
0xa6: {  	_ =	swait.ge [sflag:s22], $0x1  }
0xa7: {  	[sflag:s22] =	ssyncset.done $0x0  }
0xa8: {  	s23 =	simm.s32 $0x1B8E;
	[sflag:s22] =	ssyncadd.s32 $0xFFFFFFFF  }
0xa9: {  	s24 =	simm.s32 $execute0_lowered;
	[smem:$0x3FD2] =	sst s23  }
0xaa: {  	s9 =	sshll.u32 s24, $0x1;
	_ =	strace $0x80000046;
	[dreg:$0x1] =	wrdreg $0xFFFFFFFF  }
0xab: {  	s25 =	simm.s32 $_size_execute0_lowered;
	s8 =	sadd.s32 s8, s9;
	[dreg:$0x0] =	wrdreg $0x0  }
0xac: {  	s9 =	sshll.u32 s25, $0x1;
	[dreg:$0x2] =	wrdreg s8  }
0xad: {  	[dreg:$0x3] =	wrdreg s9  }
0xae: {  	[dreg:$0x4] =	wrdreg $0xC0  }
0xaf: {  	_ =	task [dreg:s12], $0x5FFFF  }
0xb0: {  	[dreg:$0x1] =	wrdreg $0xFFFFFFFF  }
0xb1: {  	[dreg:$0x0] =	wrdreg $0x60  }
0xb2: {  	[dreg:$0x2] =	wrdreg s0  }
0xb3: {  	[dreg:$0x3] =	wrdreg s17  }
0xb4: {  	[dreg:$0x4] =	wrdreg s2  }
0xb5: {  	[dreg:$0x5] =	wrdreg s3  }
0xb6: {  	[dreg:$0x6] =	wrdreg s4  }
0xb7: {  	[dreg:$0x7] =	wrdreg s5  }
0xb8: {  	[dreg:$0x8] =	wrdreg s6  }
0xb9: {  	[dreg:$0x9] =	wrdreg s7  }
0xba: {  	[dreg:$0xa] =	wrdreg $0x4F000  }
0xbb: {  	[dreg:$0xb] =	wrdreg $0x9  }
0xbc: {  	_ =	task.clear_ibuf [dreg:s12], $0xCFFFF;
	_ =	strace $0x90000046  }
0xbd: {  	s26 =	simm.s32 $0x9;
	_ =	strace $0x80000048  }
0xbe: {  	_ =	swait.ge [sflag:s26], $0x1  }
0xbf: {  	[sflag:s26] =	ssyncadd.s32 $0xFFFFFFFF  }
0xc0: {  	_ =	strace $0x90000048  }
0xc1: {  	_ =	sfence  }
0xc2: {  	s28 =	sld [smem:$0x0];
	_ =	sdelay $0x1  }
0xc3: {  	s29 =	srdreg.scid  }
0xc4: {  	s30 =	sshll.u32 s29, $0xD;
	s31 =	sshrl.u32 s29, $0x2  }
0xc5: {  	s1 =	sand.u32 $0x1, s29;
	s2 =	sand.u32 $0x4000, s30;
	s0 =	sadd.s32 s31, s28  }
0xc6: {  	s1 =	sor.u32 s2, s1;
	s0 =	sshll.u32 s0, $0x11  }
0xc7: {  	s0 =	sor.u32 s0, s1  }
0xc8: {  	s0 =	sadd.s32 $0x8F2B, s0  }
0xc9: {  	[sflag:s0] =	ssyncadd.remote.s32 $0x1  }
0xca: {  	_ =	sfence.sel $0xFFFF  }
0xcb: {  	[dreg:$0x0] =	wrdreg $0xFFFFFFFF;
	(pc) =	sbr.abs _section_cstart, $3  }
0xcc: {  	[dreg:$0x1] =	wrdreg $0xFFFFFFFF  }
0xcd: {  	_ =	task.clear_ibuf [dreg:s12], $0x2FFFF;
	_ =	strace $0x9FFFFFFF  }
0xce: {  	(tm) =	ssettm $0x7FFFFFFF  }
0xcf: {  	_ =	shalt  }
tec
execute0_lowered:
.L_overlay_start_1:
0x0: {  	(tag) =	ssettag $0x1  }
0x1: {  	s5 =	rddreg [dreg:$0x0]  }
0x2: {  	s9 =	rddreg [dreg:$0x1]  }
0x3: {  	s14 =	rddreg [dreg:$0x2]  }
0x4: {  	s13 =	rddreg [dreg:$0x3]  }
0x5: {  	s4 =	rddreg [dreg:$0x4]  }
0x6: {  	s6 =	rddreg [dreg:$0x5]  }
0x7: {  	s10 =	rddreg [dreg:$0x6];
	s1 =	stileid.u32  }
0x8: {  	s2 =	rddreg [dreg:$0x7];
	p0 =	seq.s32 s1, $0xF  }
.Ltmp0:
0x9: {  	s3 =	rddreg [dreg:$0x8];
	(pc) =	sbr.rel @!p0 .LBB2_1-.Ltmp0, $4  }
0xa: {  	s0 =	rddreg [dreg:$0x9];
	s8 =	simm.s32 $0x0;
	s12 =	smul.u32 $0x440, s1  }
0xb: {  	[smem:$0x7FF] =	sst s8;
	s7 =	sshll.u32 s1, $0x5  }
0xc: {  	_ =	strace $0x80000047;
	s11 =	sadd.s32 s5, s7;
	s31 =	sshrl.u32 s12, $0x2  }
0xd: {  	s5 =	sshll.u32 s1, $0x8;
	s12 =	sadd.s32 s9, s7;
	s9 =	sadd.s32 s31, s3  }
0xe: {  	s14 =	sadd.s32 $0x2DF0, s14;
	s15 =	simm.s32 $0x80  }
0xf: {  	[tilespmem:s15], [sflag:$0x2] =	stream.linear.gather [hbm4b:s14+s8], $0x1720, $0x38;
	[tilespmem:$0x5510] =	vst v63  }
0x10: {  	s16 =	simm.s32 $0x10;
	s14 =	sadd.s32 $0x30D0, s13;
	s13 =	sadd.s32 $0x2DF0, s13  }
0x11: {  	s17 =	simm.s32 $0x1980;
	s15 =	simm.s32 $0x1900;
	s18 =	sadd.s32 $0x0, s13  }
.LBB2_5:
0x12: {  	[tilespmem:s15], [sflag:$0x2] =	stream.linear.gather [hbm4b:s18+s8], $0x80, $0x38;
	[tilespmem:$0x5510] =	vst v63  }
0x13: {  	s18 =	smov.u32 s16;
	s15 =	smov.u32 s17;
	p1 =	sne.s32 s16, $0x2D0  }
.Ltmp1:
0x14: {  	s16 =	sadd.s32 $0x10, s16;
	(pc) =	sbr.rel @p1 .LBB2_5-.Ltmp1, $2  }
0x15: {  	_ =	sdelay $0x2  }
0x16: {  	s17 =	sadd.s32 $0x80, s17;
	s18 =	sadd.s32 s18, s13  }
.Ltmp2:
0x17: {  	(pc) =	sbr.rel .LBB2_7-.Ltmp2, $4  }
0x18: {  	_ = 	snop  }
0x19: {  	[tilespmem:s15], [sflag:$0x2] =	stream.linear.gather [hbm4b:s18+s8], $0x80, $0x38;
	[tilespmem:$0x5510] =	vst v63  }
0x1a: {  	s31 =	simm.s32 $0x0;
	s13 =	simm.s32 $0x3000  }
0x1b: {  	[tilespmem:s13], [sflag:$0x2] =	stream.linear.gather [hbm4b:s14+s31], $0x20, $0x38;
	[tilespmem:$0x5510] =	vst v63  }
.LBB2_1:
0x1c: {  	s15 =	smul.u32 $0x1880, s1  }
0x1d: {  	s16 =	smul.u32 $0x310, s1  }
0x1e: {  	s31 =	simm.s32 $0x80;
	s15 =	sshrl.u32 s15, $0x3  }
0x1f: {  	s13 =	sadd.s32 s16, s13;
	s16 =	simm.s32 $0x1980;
	s14 =	sadd.s32 s14, s15  }
0x20: {  	[tilespmem:s31], [sflag:$0x2] =	stream.linear.gather [hbm4b:s14+s8], $0x1880, $0x38;
	[tilespmem:$0x5510] =	vst v63  }
0x21: {  	s15 =	simm.s32 $0x10;
	s17 =	sadd.s32 $0x0, s13;
	s14 =	simm.s32 $0x1900  }
.LBB2_2:
0x22: {  	[tilespmem:s14], [sflag:$0x2] =	stream.linear.gather [hbm4b:s17+s8], $0x80, $0x38;
	[tilespmem:$0x5510] =	vst v63  }
0x23: {  	s17 =	smov.u32 s15;
	s14 =	smov.u32 s16;
	p1 =	seq.s32 s15, $0x300  }
.Ltmp3:
0x24: {  	s15 =	sadd.s32 $0x10, s15;
	(pc) =	sbr.rel @!p1 .LBB2_2-.Ltmp3, $2  }
0x25: {  	_ =	sdelay $0x2  }
0x26: {  	s16 =	sadd.s32 $0x80, s16;
	s17 =	sadd.s32 s17, s13  }
0x27: {  	[tilespmem:s14], [sflag:$0x2] =	stream.linear.gather [hbm4b:s17+s8], $0x80, $0x38;
	[tilespmem:$0x5510] =	vst v63  }
.LBB2_7:
0x28: {  	s8 =	simm.s32 $0x0  }
0x29: {  	[tilespmem:s8], [sflag:$0x2] =	stream.linear.gather [hbm4b:s10+s8], $0x80, $0x38;
	[tilespmem:$0x5510] =	vst v63  }
0x2a: {  	s26 =	simm.s32 $0x5010  }
0x2b: {  	[tilespmem:s26], [sflag:$0x3] =	stream.linear.gather [hbm4b:s11+s8], $0x100, $0x38;
	[tilespmem:$0x5510] =	vst v63  }
0x2c: {  	s28 =	simm.s32 $0x5110  }
0x2d: {  	v0 =	vimm.f32 $0.0e+00;
	[tilespmem:s28], [sflag:$0x3] =	stream.linear.gather [hbm4b:s12+s8], $0x100, $0x38;
	[tilespmem:$0x5510] =	vst v63  }
0x2e: {  	[tilespmem:$0x4D80] =	vst v0  }
0x2f: {  	[tilespmem:$0x4D90] =	vst v0  }
0x30: {  	[tilespmem:$0x4DA0] =	vst v0  }
0x31: {  	[tilespmem:$0x4DB0] =	vst v0  }
0x32: {  	[tilespmem:$0x4DC0] =	vst v0  }
0x33: {  	[tilespmem:$0x4DD0] =	vst v0  }
0x34: {  	[tilespmem:$0x4DE0] =	vst v0  }
0x35: {  	[tilespmem:$0x4DF0] =	vst v0  }
0x36: {  	[tilespmem:$0x4E00] =	vst v0  }
0x37: {  	[tilespmem:$0x4E10] =	vst v0  }
0x38: {  	[tilespmem:$0x4E20] =	vst v0  }
0x39: {  	[tilespmem:$0x4E30] =	vst v0  }
0x3a: {  	[tilespmem:$0x4E40] =	vst v0  }
0x3b: {  	[tilespmem:$0x4E50] =	vst v0  }
0x3c: {  	[tilespmem:$0x4E60] =	vst v0  }
0x3d: {  	[tilespmem:$0x4E70] =	vst v0  }
0x3e: {  	s29 =	simm.s32 $0x4D80;
	s30 =	simm.s32 $0x4;
	[tilespmem:$0x4E80] =	vst v0  }
0x3f: {  	[spmem:s9] =	stream.linear.scatter [tilespmem:s29], [sflag:$0x4], $0x110, $0x38;
	[tilespmem:$0x5510] =	vst v63  }
0x40: {  	_ =	swait.ge [sflag:s30], $0x110  }
0x41: {  	[sflag:s30] =	ssyncset.done $0x0  }
0x42: {  	s9 =	simm.s32 @p0 $0x2;
	[sflag:s30] =	ssyncadd.s32 $0xFFFFFEF0  }
0x43: {  	_ =	swait.ge @p0 [sflag:s9], $0x1720  }
0x44: {  	[sflag:s9] =	ssyncset.done @p0 $0x0  }
0x45: {  	[sflag:s9] =	ssyncadd.s32 @p0 $0xFFFFE8E0  }
0x46: {  	_ =	swait.ge @p0 [sflag:s9], $0x1720  }
0x47: {  	[sflag:s9] =	ssyncset.done @p0 $0x0  }
0x48: {  	v0 =	vimm.s32 @p0 $0x0;
	[sflag:s9] =	ssyncadd.s32 @p0 $0xFFFFE8E0  }
0x49: {  	v1 =	vimm.s32 @p0 $0x1000;
	[tilespmem:$0x17A0] =	vst @p0 v0  }
0x4a: {  	[tilespmem:$0x3020] =	vst @p0 v1  }
0x4b: {  	[tilespmem:$0x17B0] =	vst @p0 v0  }
0x4c: {  	[tilespmem:$0x3030] =	vst @p0 v1  }
0x4d: {  	[tilespmem:$0x17C0] =	vst @p0 v0  }
0x4e: {  	[tilespmem:$0x3040] =	vst @p0 v1  }
0x4f: {  	[tilespmem:$0x17D0] =	vst @p0 v0  }
0x50: {  	[tilespmem:$0x3050] =	vst @p0 v1  }
0x51: {  	[tilespmem:$0x17E0] =	vst @p0 v0  }
0x52: {  	[tilespmem:$0x3060] =	vst @p0 v1  }
0x53: {  	[tilespmem:$0x17F0] =	vst @p0 v0  }
0x54: {  	s9 =	simm.s32 @!p0 $0x2;
	[tilespmem:$0x3070] =	vst @p0 v1  }
0x55: {  	_ =	swait.ge @!p0 [sflag:s9], $0x1880  }
0x56: {  	[sflag:s9] =	ssyncset.done @!p0 $0x0  }
0x57: {  	[sflag:s9] =	ssyncadd.s32 @!p0 $0xFFFFE780  }
0x58: {  	_ =	swait.ge @!p0 [sflag:s9], $0x1880  }
0x59: {  	[sflag:s9] =	ssyncset.done @!p0 $0x0  }
0x5a: {  	s31 =	simm.s32 $0x2;
	s5 =	sadd.s32 s5, s3;
	[sflag:s9] =	ssyncadd.s32 @!p0 $0xFFFFE780  }
0x5b: {  	s2 =	sadd.s32 s2, s7;
	s7 =	simm.s32 $0x1900;
	_ =	swait.ge [sflag:s31], $0x80  }
0x5c: {  	s13 =	simm.s32 $0x0;
	s10 =	simm.s32 $0x3500;
	[sflag:s31] =	ssyncset.done $0x0  }
0x5d: {  	s11 =	simm.s32 $0xC0;
	s9 =	simm.s32 @!p0 $0x31;
	[sflag:s31] =	ssyncadd.s32 $0xFFFFFF80  }
0x5e: {  	s12 =	simm.s32 $0x80;
	s9 =	simm.s32 @p0 $0x2F;
	[bflag:$0x0] =	sbarrier.arrive $0xFFFF  }
.LBB2_8:
0x5f: {  	v0 =	vld [tilespmem:s11+$0xFFFFFFC0];
	_ =	sdelay $0x7  }
0x60: {  	v0 =	vld.idx.msk [tilespmem:v0+s8+$0x0], $0xffff;
	_ =	sdelay $0x4  }
0x61: {  	[tilespmem:s10+$0x0] =	vst v0  }
0x62: {  	v0 =	vld [tilespmem:s11+$0xFFFFFFD0];
	_ =	sdelay $0x7  }
0x63: {  	v0 =	vld.idx.msk [tilespmem:v0+s8+$0x0], $0xffff;
	_ =	sdelay $0x4  }
0x64: {  	[tilespmem:s10+$0x10] =	vst v0  }
0x65: {  	v0 =	vld [tilespmem:s11+$0xFFFFFFE0];
	_ =	sdelay $0x7  }
0x66: {  	v0 =	vld.idx.msk [tilespmem:v0+s8+$0x0], $0xffff;
	_ =	sdelay $0x4  }
0x67: {  	[tilespmem:s10+$0x20] =	vst v0  }
0x68: {  	v0 =	vld [tilespmem:s11+$0xFFFFFFF0];
	_ =	sdelay $0x7  }
0x69: {  	v0 =	vld.idx.msk [tilespmem:v0+s8+$0x0], $0xffff;
	_ =	sdelay $0x4  }
0x6a: {  	[tilespmem:s10+$0x30] =	vst v0  }
0x6b: {  	v0 =	vld [tilespmem:s11+$0x0];
	_ =	sdelay $0x7  }
0x6c: {  	v0 =	vld.idx.msk [tilespmem:v0+s8+$0x0], $0xffff;
	_ =	sdelay $0x4  }
0x6d: {  	[tilespmem:s10+$0x40] =	vst v0  }
0x6e: {  	v0 =	vld [tilespmem:s11+$0x10];
	_ =	sdelay $0x7  }
0x6f: {  	v0 =	vld.idx.msk [tilespmem:v0+s8+$0x0], $0xffff;
	_ =	sdelay $0x4  }
0x70: {  	[tilespmem:s10+$0x50] =	vst v0  }
0x71: {  	v0 =	vld [tilespmem:s11+$0x20];
	_ =	sdelay $0x7  }
0x72: {  	v0 =	vld.idx.msk [tilespmem:v0+s8+$0x0], $0xffff;
	_ =	sdelay $0x4  }
0x73: {  	[tilespmem:s10+$0x60] =	vst v0  }
0x74: {  	v0 =	vld [tilespmem:s11+$0x30];
	_ =	sdelay $0x7  }
0x75: {  	v0 =	vld.idx.msk [tilespmem:v0+s8+$0x0], $0xffff;
	_ =	sdelay $0x3  }
0x76: {  	p0 =	slt.u32 s13, $0x10  }
0x77: {  	s14 =	simm.s32 @!p0 $0x1;
	[tilespmem:s10+$0x70] =	vst v0  }
0x78: {  	[spmem:s3] =	stream.indirect.scatter.add.f32 [tilespmem:s10], [sflag:$0x1], $0x1, s7, s12, $0xb8;
	[tilespmem:$0x5510] =	vst v63  }
0x79: {  	_ =	swait.ge @!p0 [sflag:s14], $0x80  }
0x7a: {  	s13 =	sadd.s32 $0x1, s13;
	[sflag:s14] =	ssyncset.done @!p0 $0x0  }
0x7b: {  	[sflag:s14] =	ssyncadd.s32 @!p0 $0xFFFFFF80;
	p0 =	sne.s32 s9, s13  }
.Ltmp4:
0x7c: {  	_ = 	snop;
	(pc) =	sbr.rel @p0 .LBB2_8-.Ltmp4, $2  }
0x7d: {  	_ =	sdelay $0x2  }
0x7e: {  	s11 =	sadd.s32 $0x80, s11;
	s7 =	sadd.s32 $0x80, s7;
	s10 =	sadd.s32 $0x80, s10  }
0x7f: {  	s3 =	simm.s32 $0x0;
	s7 =	simm.s32 $0x5410;
	s26 =	simm.s32 $0x4  }
0x80: {  	[tilespmem:s7], [sflag:$0x4] =	stream.linear.gather [hbm4b:s4+s3], $0x80, $0x38;
	[tilespmem:$0x5510] =	vst v63  }
0x81: {  	_ =	swait.ge [sflag:s26], $0x80  }
0x82: {  	[sflag:s26] =	ssyncset.done $0x0  }
0x83: {  	s8 =	simm.s32 $0x5490;
	[sflag:s26] =	ssyncadd.s32 $0xFFFFFF80  }
0x84: {  	[tilespmem:s8], [sflag:$0x4] =	stream.linear.gather [hbm4b:s6+s3], $0x80, $0x38;
	[tilespmem:$0x5510] =	vst v63  }
0x85: {  	_ =	swait.ge [sflag:s26], $0x80  }
0x86: {  	[sflag:s26] =	ssyncset.done $0x0  }
0x87: {  	s28 =	simm.s32 $0x3;
	[sflag:s26] =	ssyncadd.s32 $0xFFFFFF80  }
0x88: {  	_ =	swait.ge [sflag:s28], $0x100  }
0x89: {  	[sflag:s28] =	ssyncset.done $0x0  }
0x8a: {  	[sflag:s28] =	ssyncadd.s32 $0xFFFFFF00  }
0x8b: {  	_ =	swait.ge [sflag:s28], $0x100  }
0x8c: {  	[sflag:s28] =	ssyncset.done $0x0  }
0x8d: {  	[sflag:s28] =	ssyncadd.s32 $0xFFFFFF00  }
0x8e: {  	v0 =	vld.msk [tilespmem:s7+$0x0], $0xffff  }
0x8f: {  	v1 =	vld.msk [tilespmem:s8+$0x0], $0xffff  }
0x90: {  	v2 =	vld [tilespmem:$0x5010]  }
0x91: {  	v3 =	vld [tilespmem:$0x5110]  }
0x92: {  	v4 =	vld [tilespmem:$0x5020]  }
0x93: {  	v5 =	vld [tilespmem:$0x5120]  }
0x94: {  	v6 =	vld [tilespmem:$0x5030]  }
0x95: {  	v7 =	vld [tilespmem:$0x5130]  }
0x96: {  	v8 =	vld [tilespmem:$0x5040]  }
0x97: {  	v9 =	vld [tilespmem:$0x5140]  }
0x98: {  	v10 =	vld [tilespmem:$0x5050]  }
0x99: {  	v11 =	vld [tilespmem:$0x5150]  }
0x9a: {  	v12 =	vld [tilespmem:$0x5060]  }
0x9b: {  	v13 =	vld [tilespmem:$0x5160]  }
0x9c: {  	v14 =	vld [tilespmem:$0x5070]  }
0x9d: {  	v15 =	vld [tilespmem:$0x5170];
	v3 =	vcvt.s32.f32 v3;
	v2 =	vmul.f32 v2, v0  }
0x9e: {  	v16 =	vld [tilespmem:$0x5080];
	v5 =	vcvt.s32.f32 v5;
	v4 =	vmul.f32 v4, v0  }
0x9f: {  	v17 =	vld [tilespmem:$0x5180];
	v7 =	vcvt.s32.f32 v7;
	v6 =	vmul.f32 v6, v0  }
0xa0: {  	v19 =	vld [tilespmem:$0x5190];
	v9 =	vcvt.s32.f32 v9;
	v8 =	vmul.f32 v8, v0  }
0xa1: {  	v18 =	vld [tilespmem:$0x5090];
	v11 =	vcvt.s32.f32 v11;
	v10 =	vmul.f32 v10, v0  }
0xa2: {  	v21 =	vld [tilespmem:$0x51A0];
	v13 =	vcvt.s32.f32 v13;
	v12 =	vmul.f32 v12, v0  }
0xa3: {  	v20 =	vld [tilespmem:$0x50A0];
	v15 =	vcvt.s32.f32 v15;
	v14 =	vmul.f32 v14, v0  }
0xa4: {  	v23 =	vld [tilespmem:$0x51B0];
	v54 =	vcvt.s32.f32 v17;
	v56 =	vmul.f32 v16, v0  }
0xa5: {  	v22 =	vld [tilespmem:$0x50B0];
	v57 =	vcvt.s32.f32 v19;
	v3 =	vmul.f32 v3, v1  }
0xa6: {  	v55 =	vld [tilespmem:$0x51C0];
	v61 =	vmul.f32 v18, v0;
	v5 =	vmul.f32 v5, v1  }
0xa7: {  	v24 =	vld [tilespmem:$0x50C0];
	v26 =	vcvt.s32.f32 v21;
	v7 =	vmul.f32 v7, v1;
	v2 =	vadd.f32 v3, v2  }
0xa8: {  	v62 =	vld [tilespmem:$0x51D0];
	v29 =	vmul.f32 v20, v0;
	v9 =	vmul.f32 v9, v1;
	v4 =	vadd.f32 v5, v4  }
0xa9: {  	v58 =	vld [tilespmem:$0x50D0];
	v30 =	vcvt.s32.f32 v23;
	v11 =	vmul.f32 v11, v1;
	v59 =	vadd.f32 v7, v6;
	[tilespmem:$0x5310] =	vst v2  }
0xaa: {  	v31 =	vld [tilespmem:$0x51E0];
	v33 =	vmul.f32 v22, v0;
	v13 =	vmul.f32 v13, v1;
	v63 =	vadd.f32 v9, v8;
	[tilespmem:$0x5320] =	vst v4  }
0xab: {  	v27 =	vld [tilespmem:$0x50E0];
	v37 =	vcvt.s32.f32 v55;
	v53 =	vmul.f32 v15, v1;
	v28 =	vadd.f32 v11, v10;
	[tilespmem:$0x5330] =	vst v59  }
0xac: {  	v34 =	vld [tilespmem:$0x51F0];
	v40 =	vmul.f32 v24, v0;
	v60 =	vmul.f32 v54, v1;
	v32 =	vadd.f32 v13, v12;
	[tilespmem:$0x5340] =	vst v63  }
0xad: {  	v38 =	vld [tilespmem:$0x5200];
	v41 =	vcvt.s32.f32 v62;
	v25 =	vmul.f32 v57, v1;
	v35 =	vadd.f32 v53, v14;
	[tilespmem:$0x5350] =	vst v28  }
0xae: {  	v42 =	vld [tilespmem:$0x50F0];
	v45 =	vmul.f32 v58, v0;
	v36 =	vmul.f32 v30, v1;
	v39 =	vadd.f32 v60, v56;
	[tilespmem:$0x5360] =	vst v32  }
0xaf: {  	v46 =	vld [tilespmem:$0x5100];
	v48 =	vcvt.s32.f32 v31;
	v44 =	vmul.f32 v37, v1;
	v43 =	vadd.f32 v25, v61;
	[tilespmem:$0x5370] =	vst v35  }
0xb0: {  	v50 =	vmul.f32 v27, v0;
	v9 =	vmul.f32 v26, v1;
	v49 =	vadd.f32 v36, v33;
	[tilespmem:$0x5380] =	vst v39  }
0xb1: {  	v51 =	vcvt.s32.f32 v34;
	v6 =	vmul.f32 v41, v1;
	v52 =	vadd.f32 v44, v40;
	[tilespmem:$0x5390] =	vst v43  }
0xb2: {  	v54 =	vcvt.s32.f32 v38;
	v53 =	vmul.f32 v48, v1;
	v47 =	vadd.f32 v9, v29;
	[tilespmem:$0x53B0] =	vst v49  }
0xb3: {  	v57 =	vmul.f32 v51, v1;
	v56 =	vmul.f32 v42, v0;
	v55 =	vadd.f32 v6, v45;
	[tilespmem:$0x53C0] =	vst v52  }
0xb4: {  	v0 =	vmul.f32 v46, v0;
	v1 =	vmul.f32 v54, v1;
	v3 =	vadd.f32 v53, v50;
	[tilespmem:$0x53A0] =	vst v47  }
0xb5: {  	v58 =	vadd.f32 v57, v56;
	[tilespmem:$0x53D0] =	vst v55  }
0xb6: {  	v0 =	vadd.f32 v1, v0;
	[tilespmem:$0x53E0] =	vst v3  }
0xb7: {  	[tilespmem:$0x53F0] =	vst v58  }
0xb8: {  	s29 =	simm.s32 $0x1;
	[tilespmem:$0x5400] =	vst v0  }
0xb9: {  	_ =	swait.ge [sflag:s29], $0x80  }
0xba: {  	[sflag:s29] =	ssyncset.done $0x0  }
0xbb: {  	[sflag:s29] =	ssyncadd.s32 $0xFFFFFF80  }
0xbc: {  	_ =	swait.ge [sflag:s29], $0x80  }
0xbd: {  	[sflag:s29] =	ssyncset.done $0x0  }
0xbe: {  	[sflag:s29] =	ssyncadd.s32 $0xFFFFFF80  }
0xbf: {  	_ =	swait.ge [sflag:s29], $0x80  }
0xc0: {  	[sflag:s29] =	ssyncset.done $0x0  }
0xc1: {  	[sflag:s29] =	ssyncadd.s32 $0xFFFFFF80  }
0xc2: {  	_ =	swait.ge [sflag:s29], $0x80  }
0xc3: {  	[sflag:s29] =	ssyncset.done $0x0  }
0xc4: {  	[sflag:s29] =	ssyncadd.s32 $0xFFFFFF80  }
0xc5: {  	_ =	swait.ge [sflag:s29], $0x80  }
0xc6: {  	[sflag:s29] =	ssyncset.done $0x0  }
0xc7: {  	[sflag:s29] =	ssyncadd.s32 $0xFFFFFF80  }
0xc8: {  	_ =	swait.ge [sflag:s29], $0x80  }
0xc9: {  	[sflag:s29] =	ssyncset.done $0x0  }
0xca: {  	[sflag:s29] =	ssyncadd.s32 $0xFFFFFF80  }
0xcb: {  	_ =	swait.ge [sflag:s29], $0x80  }
0xcc: {  	[sflag:s29] =	ssyncset.done $0x0  }
0xcd: {  	[sflag:s29] =	ssyncadd.s32 $0xFFFFFF80  }
0xce: {  	_ =	swait.ge [sflag:s29], $0x80  }
0xcf: {  	[sflag:s29] =	ssyncset.done $0x0  }
0xd0: {  	[sflag:s29] =	ssyncadd.s32 $0xFFFFFF80  }
0xd1: {  	_ =	swait.ge [sflag:s29], $0x80  }
0xd2: {  	[sflag:s29] =	ssyncset.done $0x0  }
0xd3: {  	[sflag:s29] =	ssyncadd.s32 $0xFFFFFF80  }
0xd4: {  	_ =	swait.ge [sflag:s29], $0x80  }
0xd5: {  	[sflag:s29] =	ssyncset.done $0x0  }
0xd6: {  	[sflag:s29] =	ssyncadd.s32 $0xFFFFFF80  }
0xd7: {  	_ =	swait.ge [sflag:s29], $0x80  }
0xd8: {  	[sflag:s29] =	ssyncset.done $0x0  }
0xd9: {  	[sflag:s29] =	ssyncadd.s32 $0xFFFFFF80  }
0xda: {  	_ =	swait.ge [sflag:s29], $0x80  }
0xdb: {  	[sflag:s29] =	ssyncset.done $0x0  }
0xdc: {  	[sflag:s29] =	ssyncadd.s32 $0xFFFFFF80  }
0xdd: {  	_ =	swait.ge [sflag:s29], $0x80  }
0xde: {  	[sflag:s29] =	ssyncset.done $0x0  }
0xdf: {  	[sflag:s29] =	ssyncadd.s32 $0xFFFFFF80  }
0xe0: {  	_ =	swait.ge [sflag:s29], $0x80  }
0xe1: {  	[sflag:s29] =	ssyncset.done $0x0  }
0xe2: {  	[sflag:s29] =	ssyncadd.s32 $0xFFFFFF80  }
0xe3: {  	_ =	swait.ge [sflag:s29], $0x80  }
0xe4: {  	[sflag:s29] =	ssyncset.done $0x0  }
0xe5: {  	[sflag:s29] =	ssyncadd.s32 $0xFFFFFF80  }
0xe6: {  	_ =	swait.ge [sflag:s29], $0x80  }
0xe7: {  	[sflag:s29] =	ssyncset.done $0x0  }
0xe8: {  	[sflag:s29] =	ssyncadd.s32 $0xFFFFFF80  }
0xe9: {  	s30 =	simm.s32 $0x5210;
	[bflag:$0x0] =	sbarrier.arrive $0xFFFF  }
0xea: {  	[tilespmem:s30], [sflag:$0x4] =	stream.linear.gather [spmem:s5], $0x100, $0x38;
	[tilespmem:$0x5510] =	vst v63  }
0xeb: {  	_ =	swait.ge [sflag:s26], $0x100  }
0xec: {  	[sflag:s26] =	ssyncset.done $0x0  }
0xed: {  	[sflag:s26] =	ssyncadd.s32 $0xFFFFFF00  }
0xee: {  	v59 =	vld [tilespmem:$0x5310]  }
0xef: {  	v60 =	vld [tilespmem:$0x5210]  }
0xf0: {  	v61 =	vld [tilespmem:$0x5320]  }
0xf1: {  	v62 =	vld [tilespmem:$0x5220]  }
0xf2: {  	v63 =	vld [tilespmem:$0x5330]  }
0xf3: {  	v24 =	vld [tilespmem:$0x5230]  }
0xf4: {  	v25 =	vld [tilespmem:$0x5340]  }
0xf5: {  	v26 =	vld [tilespmem:$0x5240]  }
0xf6: {  	v27 =	vld [tilespmem:$0x5350]  }
0xf7: {  	v28 =	vld [tilespmem:$0x5250]  }
0xf8: {  	v29 =	vld [tilespmem:$0x5360]  }
0xf9: {  	v30 =	vld [tilespmem:$0x5260]  }
0xfa: {  	v31 =	vld [tilespmem:$0x5370]  }
0xfb: {  	v32 =	vld [tilespmem:$0x5270]  }
0xfc: {  	v33 =	vld [tilespmem:$0x5380]  }
0xfd: {  	v34 =	vld [tilespmem:$0x5280]  }
0xfe: {  	v35 =	vld [tilespmem:$0x5390]  }
0xff: {  	v36 =	vld [tilespmem:$0x5290]  }
0x100: {  	v37 =	vld [tilespmem:$0x53A0]  }
0x101: {  	v38 =	vld [tilespmem:$0x52A0]  }
0x102: {  	v39 =	vld [tilespmem:$0x53B0]  }
0x103: {  	v40 =	vld [tilespmem:$0x52B0];
	v0 =	vadd.f32 v60, v59  }
0x104: {  	v41 =	vld [tilespmem:$0x53C0];
	v2 =	vadd.f32 v62, v61  }
0x105: {  	v43 =	vld [tilespmem:$0x52C0];
	v42 =	vadd.f32 v24, v63;
	[tilespmem:$0x5310] =	vst v0  }
0x106: {  	v45 =	vld [tilespmem:$0x53D0];
	v44 =	vadd.f32 v26, v25;
	[tilespmem:$0x5320] =	vst v2  }
0x107: {  	v47 =	vld [tilespmem:$0x52D0];
	v46 =	vadd.f32 v28, v27;
	[tilespmem:$0x5330] =	vst v42  }
0x108: {  	v49 =	vld [tilespmem:$0x53E0];
	v48 =	vadd.f32 v30, v29;
	[tilespmem:$0x5340] =	vst v44  }
0x109: {  	v51 =	vld [tilespmem:$0x52E0];
	v50 =	vadd.f32 v32, v31;
	[tilespmem:$0x5350] =	vst v46  }
0x10a: {  	v53 =	vld [tilespmem:$0x53F0];
	v52 =	vadd.f32 v34, v33;
	[tilespmem:$0x5360] =	vst v48  }
0x10b: {  	v55 =	vld [tilespmem:$0x52F0];
	v54 =	vadd.f32 v36, v35;
	[tilespmem:$0x5370] =	vst v50  }
0x10c: {  	v57 =	vld [tilespmem:$0x5400];
	v56 =	vadd.f32 v38, v37;
	[tilespmem:$0x5380] =	vst v52  }
0x10d: {  	v58 =	vadd.f32 v40, v39;
	v59 =	vld [tilespmem:$0x5300];
	[tilespmem:$0x5390] =	vst v54  }
0x10e: {  	v60 =	vadd.f32 v43, v41;
	[tilespmem:$0x53A0] =	vst v56  }
0x10f: {  	v61 =	vadd.f32 v47, v45;
	[tilespmem:$0x53B0] =	vst v58  }
0x110: {  	v62 =	vadd.f32 v51, v49;
	[tilespmem:$0x53C0] =	vst v60  }
0x111: {  	v63 =	vadd.f32 v55, v53;
	[tilespmem:$0x53D0] =	vst v61  }
0x112: {  	[tilespmem:$0x53E0] =	vst v62;
	v1 =	vadd.f32 v59, v57  }
0x113: {  	[tilespmem:$0x53F0] =	vst v63  }
0x114: {  	s31 =	simm.s32 $0x5310;
	[tilespmem:$0x5400] =	vst v1  }
0x115: {  	[hbm4b:s2+s3] =	stream.linear.scatter [tilespmem:s31], [sflag:$0x4], $0x100, $0x38;
	[tilespmem:$0x5510] =	vst v63  }
0x116: {  	_ =	swait.ge [sflag:s26], $0x100  }
0x117: {  	[sflag:s26] =	ssyncset.done $0x0  }
0x118: {  	[sflag:s26] =	ssyncadd.s32 $0xFFFFFF00  }
0x119: {  	_ =	sfence.sel $0x180000  }
0x11a: {  	[bflag:$0x0] =	sbarrier.arrive $0xFFFF  }
0x11b: {  	p0 =	sne.s32 s1, $0x0;
	_ =	strace $0x90000047  }
0x11c: {  	s0 =	sadd.s32 @!p0 $0x100000, s0;
	[bflag:$0x2] =	sbarrier.arrive $0xFFFF  }
0x11d: {  	[sflag:s0] =	ssyncadd.tile.s32 @!p0 $0x1;
	_ =	shalt  }
.Lfunc_end2:
_tile_overlayer_lowered:
.L_overlay_start_2:
0x11e: {  	(tag) =	ssettag $0x2  }
0x11f: {  	s0 =	rddreg [dreg:$0x0];
	s2 =	stileid.u32  }
0x120: {  	s1 =	rddreg [dreg:$0x1];
	p0 =	sne.s32 s2, $0x0  }
0x121: {  	s3 =	rddreg [dreg:$0x2];
	[bflag:$0x3] =	sbarrier.arrive $0xFFFF;
	s2 =	simm.s32 @!p0 $0x1C04  }
0x122: {  	[timem:s3], [sflag:s2] =	dma.local @!p0 [hbm:s0], s1  }
0x123: {  	s0 =	simm.s32 @!p0 $0x4  }
0x124: {  	_ =	swait.ge @!p0 [sflag:s0], s1  }
0x125: {  	s1 =	ssub.s32 @!p0 $0x0, s1;
	[sflag:s0] =	ssyncset.done @!p0 $0x0  }
0x126: {  	[sflag:s0] =	ssyncadd.s32 @!p0 s1  }
0x127: {  	[bflag:$0x3] =	sbarrier.arrive $0xFFFF  }
0x128: {  	_ =	shalt  }

</sc_bundles>
